<compile_context>
chip_gen: v7x
topology: tpu7x:2x2x1
jax: 0.10.2.dev20260603
libtpu: 0.0.44.dev20260713+nightly
codegen_flags: <defaults>
</compile_context>

<pallas_src>
import functools

import jax
import jax.numpy as jnp
from jax import lax
from jax.experimental import pallas as pl
from jax.experimental.pallas import tpu as pltpu
from jax.experimental.pallas import tpu_sc as plsc

N = 10000
E = 320000
D = 128
H = 16
C = 10

_NW = 32
_EPW = E // _NW
_B = 2000
_K = _EPW // _B
_ACC_ROWS = 10112
_ZROWS = _ACC_ROWS // 16
_OROWS = 632
_OLAST = N - 15 * _OROWS



def _seg_body(table_hbm, src_hbm, dst_hbm, zeros_hbm, out_hbm,
              src_v, dst_v, rows0_v, rows1_v, acc_sh, sem0, sem1, ssem):
    c = lax.axis_index("c")
    s = lax.axis_index("s")
    wid = c * 16 + s
    base = wid * _EPW
    cp_src = pltpu.async_copy(src_hbm.at[pl.ds(base, _EPW)], src_v, ssem)
    cp_dst = pltpu.async_copy(dst_hbm.at[pl.ds(base, _EPW)], dst_v, sem1)
    cp_z = pltpu.async_copy(zeros_hbm, acc_sh.at[pl.ds(s * _ZROWS, _ZROWS)],
                            sem0)
    cp_src.wait()
    bufs = (rows0_v, rows1_v)
    sems = (sem0, sem1)
    cp_z.wait()
    cp_dst.wait()
    g = pltpu.async_copy(table_hbm.at[src_v.at[pl.ds(0, _B)]], bufs[0],
                         sems[0])
    plsc.subcore_barrier()

    for j in range(_K):
        g.wait()
        if j + 1 < _K:
            nxt = (j + 1) % 2
            g = pltpu.async_copy(
                table_hbm.at[src_v.at[pl.ds((j + 1) * _B, _B)]],
                bufs[nxt], sems[nxt])
        pltpu.sync_copy(bufs[j % 2],
                        acc_sh.at[dst_v.at[pl.ds(j * _B, _B)]], add=True)
    plsc.subcore_barrier()
    @pl.when(s < 15)
    def _():
        pltpu.sync_copy(acc_sh.at[pl.ds(s * _OROWS, _OROWS)],
                        out_hbm.at[c, pl.ds(s * _OROWS, _OROWS)])

    @pl.when(s == 15)
    def _():
        pltpu.sync_copy(acc_sh.at[pl.ds(15 * _OROWS, _OLAST)],
                        out_hbm.at[c, pl.ds(15 * _OROWS, _OLAST)])


_seg_partial = functools.partial(
    pl.kernel,
    out_type=jax.ShapeDtypeStruct((2, N, H), jnp.float32),
    mesh=plsc.VectorSubcoreMesh(core_axis_name="c", subcore_axis_name="s"),
    compiler_params=pltpu.CompilerParams(use_tc_tiling_on_sc=False),
    scratch_types=[
        pltpu.VMEM((_EPW,), jnp.int32),
        pltpu.VMEM((_EPW,), jnp.int32),
        pltpu.VMEM((_B, H), jnp.float32),
        pltpu.VMEM((_B, H), jnp.float32),
        pltpu.VMEM_SHARED((_ACC_ROWS, H), jnp.float32),
        pltpu.SemaphoreType.DMA,
        pltpu.SemaphoreType.DMA,
        pltpu.SemaphoreType.DMA,
    ],
)(_seg_body)


def _fused_body(p_hbm, r_hbm, src_hbm, dst_hbm, zeros_hbm,
                out_hbm, h_hbm,
                src_v, dst_v, rows0_v, rows1_v, rbuf_v, acc_sh,
                sem0, sem1, ssem, hsem):
    c = lax.axis_index("c")
    s = lax.axis_index("s")
    wid = c * 16 + s
    base = wid * _EPW
    cp_src = pltpu.async_copy(src_hbm.at[pl.ds(base, _EPW)], src_v, ssem)
    cp_dst = pltpu.async_copy(dst_hbm.at[pl.ds(base, _EPW)], dst_v, sem1)
    cp_z = pltpu.async_copy(zeros_hbm, acc_sh.at[pl.ds(s * _ZROWS, _ZROWS)],
                            sem0)

    def do_h(off, nrows):
        c0 = pltpu.async_copy(p_hbm.at[0, pl.ds(off, nrows)],
                              rows0_v.at[pl.ds(0, nrows)], hsem)
        c1 = pltpu.async_copy(p_hbm.at[1, pl.ds(off, nrows)],
                              rows1_v.at[pl.ds(0, nrows)], hsem)
        c2 = pltpu.async_copy(r_hbm.at[pl.ds(off, nrows)],
                              rbuf_v.at[pl.ds(0, nrows)], hsem)
        c0.wait()
        c1.wait()
        c2.wait()

        def row(i, carry):
            rows0_v[i] = jnp.maximum(rows0_v[i] + rows1_v[i] + rbuf_v[i],
                                     0.0)
            return carry

        lax.fori_loop(0, nrows, row, 0)
        pltpu.sync_copy(rows0_v.at[pl.ds(0, nrows)],
                        h_hbm.at[c, pl.ds(off, nrows)])

    @pl.when(s < 15)
    def _():
        do_h(s * _OROWS, _OROWS)

    @pl.when(s == 15)
    def _():
        do_h(15 * _OROWS, _OLAST)

    cp_src.wait()
    cp_z.wait()
    cp_dst.wait()
    plsc.subcore_barrier()

    g = pltpu.async_copy(h_hbm.at[c].at[src_v.at[pl.ds(0, _B)]], rows0_v,
                         sem0)
    for j in range(_K):
        g.wait()
        if j + 1 < _K:
            nxt = (j + 1) % 2
            g = pltpu.async_copy(
                h_hbm.at[c].at[src_v.at[pl.ds((j + 1) * _B, _B)]],
                (rows0_v, rows1_v)[nxt], (sem0, sem1)[nxt])
        pltpu.sync_copy((rows0_v, rows1_v)[j % 2],
                        acc_sh.at[dst_v.at[pl.ds(j * _B, _B)]], add=True)
    plsc.subcore_barrier()

    @pl.when(s < 15)
    def _():
        pltpu.sync_copy(acc_sh.at[pl.ds(s * _OROWS, _OROWS)],
                        out_hbm.at[c, pl.ds(s * _OROWS, _OROWS)])

    @pl.when(s == 15)
    def _():
        pltpu.sync_copy(acc_sh.at[pl.ds(15 * _OROWS, _OLAST)],
                        out_hbm.at[c, pl.ds(15 * _OROWS, _OLAST)])


_seg_fused = functools.partial(
    pl.kernel,
    out_type=(jax.ShapeDtypeStruct((2, N, H), jnp.float32),
              jax.ShapeDtypeStruct((2, N, H), jnp.float32)),
    mesh=plsc.VectorSubcoreMesh(core_axis_name="c", subcore_axis_name="s"),
    compiler_params=pltpu.CompilerParams(use_tc_tiling_on_sc=False),
    scratch_types=[
        pltpu.VMEM((_EPW,), jnp.int32),
        pltpu.VMEM((_EPW,), jnp.int32),
        pltpu.VMEM((_B, H), jnp.float32),
        pltpu.VMEM((_B, H), jnp.float32),
        pltpu.VMEM((_OROWS, H), jnp.float32),
        pltpu.VMEM_SHARED((_ACC_ROWS, H), jnp.float32),
        pltpu.SemaphoreType.DMA,
        pltpu.SemaphoreType.DMA,
        pltpu.SemaphoreType.DMA,
        pltpu.SemaphoreType.DMA,
    ],
)(_fused_body)



_BLK = 2000


def _proj_body(x_ref, w_ref, b_ref, o_ref):
    o_ref[...] = lax.dot_general(
        x_ref[...], w_ref[...], (((1,), (1,)), ((), ())),
        preferred_element_type=jnp.float32) + b_ref[...]


def _proj(xx, wcat, bcat):
    n, d = xx.shape
    m = wcat.shape[0]
    return pl.pallas_call(
        _proj_body,
        grid=(n // _BLK,),
        in_specs=[
            pl.BlockSpec((_BLK, d), lambda i: (i, 0)),
            pl.BlockSpec((m, d), lambda i: (0, 0)),
            pl.BlockSpec((1, m), lambda i: (0, 0)),
        ],
        out_specs=pl.BlockSpec((_BLK, m), lambda i: (i, 0)),
        out_shape=jax.ShapeDtypeStruct((n, m), jnp.float32),
    )(xx, wcat, bcat)


def _final_body(pa_ref, h_ref, wrel_ref, wroot_ref, b_ref, o_ref):
    agg = pa_ref[0] + pa_ref[1]
    o = lax.dot_general(
        agg, wrel_ref[...], (((1,), (1,)), ((), ())),
        preferred_element_type=jnp.float32)
    o = o + lax.dot_general(
        h_ref[...], wroot_ref[...], (((1,), (1,)), ((), ())),
        preferred_element_type=jnp.float32)
    o = o + b_ref[...]
    mask = lax.broadcasted_iota(jnp.int32, o.shape, 1) < C
    neg = jnp.where(mask, o, -jnp.inf)
    m = jnp.max(neg, axis=1, keepdims=True)
    e = jnp.where(mask, jnp.exp(o - m), 0.0)
    ssum = jnp.sum(e, axis=1, keepdims=True)
    o_ref[...] = o - m - jnp.log(ssum)


def _final(partial2, h, wrel, wroot, b):
    return pl.pallas_call(
        _final_body,
        grid=(N // _BLK,),
        in_specs=[
            pl.BlockSpec((2, _BLK, H), lambda i: (0, i, 0)),
            pl.BlockSpec((_BLK, H), lambda i: (i, 0)),
            pl.BlockSpec((H, H), lambda i: (0, 0)),
            pl.BlockSpec((H, H), lambda i: (0, 0)),
            pl.BlockSpec((1, H), lambda i: (0, 0)),
        ],
        out_specs=pl.BlockSpec((_BLK, H), lambda i: (i, 0)),
        out_shape=jax.ShapeDtypeStruct((N, H), jnp.float32),
    )(partial2, h, wrel, wroot, b)



def kernel(x, edge_index, W1_rel, b1, W1_root, W2_rel, b2, W2_root):
    src = edge_index[0]
    dst = edge_index[1]
    zrows = jnp.zeros((_ZROWS, H), jnp.float32)

    wcat1 = jnp.concatenate([W1_rel, W1_root], axis=0)
    bcat1 = jnp.concatenate([jnp.zeros_like(b1), b1]).reshape(1, 2 * H)
    out1 = _proj(x, wcat1, bcat1)
    p1 = out1[:, :H]
    r1 = out1[:, H:]
    partial1 = _seg_partial(p1, src, dst, zrows)

    partial2, h2 = _seg_fused(partial1, r1, src, dst, zrows)

    w2rel = jnp.pad(W2_rel, ((0, H - C), (0, 0)))
    w2root = jnp.pad(W2_root, ((0, H - C), (0, 0)))
    b2p = jnp.pad(b2, (0, H - C)).reshape(1, H)
    out16 = _final(partial2, h2[0], w2rel, w2root, b2p)
    return out16[:, :C]

# --- scband reference (transcript-rebuilt; emitter-appended) ---
"""Pipeline reference for scband-test-module-43361989820886 (READ-ONLY COPY).

The authoritative reference and input builder live on the scoring server;
editing this copy changes nothing except your own understanding.
"""

import jax, jax.numpy as jnp
import numpy as np

N = 10000
E = 320000
D = 128
H = 16
C = 10


def setup_inputs(seed: int = 0) -> dict:
    key = jax.random.key(seed)
    ks = jax.random.split(key, 8)
    x = jax.random.normal(ks[0], (N, D), dtype=jnp.float32)
    edge_index = jax.random.randint(ks[1], (2, E), 0, N, dtype=jnp.int32)
    W1_rel = jax.random.normal(ks[2], (H, D), dtype=jnp.float32) * (1.0 / np.sqrt(D))
    b1 = jnp.zeros((H,), dtype=jnp.float32)
    W1_root = jax.random.normal(ks[3], (H, D), dtype=jnp.float32) * (1.0 / np.sqrt(D))
    W2_rel = jax.random.normal(ks[4], (C, H), dtype=jnp.float32) * (1.0 / np.sqrt(H))
    b2 = jnp.zeros((C,), dtype=jnp.float32)
    W2_root = jax.random.normal(ks[5], (C, H), dtype=jnp.float32) * (1.0 / np.sqrt(H))
    return {
        "x": x,
        "edge_index": edge_index,
        "W1_rel": W1_rel,
        "b1": b1,
        "W1_root": W1_root,
        "W2_rel": W2_rel,
        "b2": b2,
        "W2_root": W2_root,
    }


def reference(x, edge_index, W1_rel, b1, W1_root, W2_rel, b2, W2_root):
    # PyG GraphConv: out = lin_rel(sum-aggr of neighbor features) + lin_root(x)
    src = edge_index[0]
    dst = edge_index[1]
    # layer 1
    msg1 = jnp.take(x, src, axis=0)                      # gather  [E, D]
    agg1 = jax.ops.segment_sum(msg1, dst, num_segments=N)  # scatter-add [N, D]
    h = agg1 @ W1_rel.T + b1 + x @ W1_root.T
    h = jax.nn.relu(h)                                   # [N, H]
    # layer 2
    msg2 = jnp.take(h, src, axis=0)                      # [E, H]
    agg2 = jax.ops.segment_sum(msg2, dst, num_segments=N)  # [N, H]
    out = agg2 @ W2_rel.T + b2 + h @ W2_root.T           # [N, C]
    return jax.nn.log_softmax(out, axis=1)

if __name__ == "__main__":
    import jax
    _d = setup_inputs()
    print(jax.jit(kernel)(*tuple(_d.values())))

</pallas_src>

<mosaic_0001>
#map = affine_map<(d0, d1) -> (0, 0)>
#map1 = affine_map<(d0, d1) -> (0)>
#map2 = affine_map<(d0, d1) -> (0, 0, 0)>
module attributes {stable_mosaic.version = 14 : i64} {
  func.func @_seg_body(%arg0: i32, %arg1: i32, %arg2: memref<10000x16xf32, #tpu.memory_space<hbm>>, %arg3: memref<320000xi32, #tpu.memory_space<hbm>>, %arg4: memref<320000xi32, #tpu.memory_space<hbm>>, %arg5: memref<632x16xf32, #tpu.memory_space<hbm>>, %arg6: memref<2x10000x16xf32, #tpu.memory_space<hbm>>, %arg7: memref<10000xi32, #tpu.memory_space<vmem>>, %arg8: memref<10000xi32, #tpu.memory_space<vmem>>, %arg9: memref<2000x16xf32, #tpu.memory_space<vmem>>, %arg10: memref<2000x16xf32, #tpu.memory_space<vmem>>, %arg11: memref<10112x16xf32, #tpu.memory_space<vmem_shared>>, %arg12: memref<!tpu.dma_semaphore, #tpu.memory_space<semaphore_mem>>, %arg13: memref<!tpu.dma_semaphore, #tpu.memory_space<semaphore_mem>>, %arg14: memref<!tpu.dma_semaphore, #tpu.memory_space<semaphore_mem>>) attributes {dimension_semantics = [#tpu.dimension_semantics<core_parallel>, #tpu.dimension_semantics<subcore_parallel>], iteration_bounds = array<i64: 2, 16>, scalar_prefetch = 0 : i64, scratch_operands = 8 : i64, tpu.core_type = #tpu.core_type<sc_vector_subcore>, window_params = [{transform_indices = #map}, {transform_indices = #map1}, {transform_indices = #map1}, {transform_indices = #map}, {transform_indices = #map2}]} {
    %mul3A = arith.constant 16 : i32
    %mul3A_0 = arith.muli %arg0, %mul3A : i32
    %add3A = arith.addi %mul3A_0, %arg1 : i32
    %mul3A_1 = arith.constant 10000 : i32
    %mul3A_2 = arith.muli %add3A, %mul3A_1 : i32
    %dma_start3A = tpu.memref_slice %arg3[%mul3A_2] : memref<320000xi32, #tpu.memory_space<hbm>> -> memref<10000xi32, #tpu.memory_space<hbm>>
    %dma_start3A_3 = tpu.memref_slice %arg3[%mul3A_2] : memref<320000xi32, #tpu.memory_space<hbm>> -> memref<10000xi32, #tpu.memory_space<hbm>>
    tpu.enqueue_dma source(%dma_start3A_3 : memref<10000xi32, #tpu.memory_space<hbm>>) target(%arg7 : memref<10000xi32, #tpu.memory_space<vmem>>) target_semaphore(%arg14 : memref<!tpu.dma_semaphore, #tpu.memory_space<semaphore_mem>>)
    %dma_start3A_4 = tpu.memref_slice %arg4[%mul3A_2] : memref<320000xi32, #tpu.memory_space<hbm>> -> memref<10000xi32, #tpu.memory_space<hbm>>
    %dma_start3A_5 = tpu.memref_slice %arg4[%mul3A_2] : memref<320000xi32, #tpu.memory_space<hbm>> -> memref<10000xi32, #tpu.memory_space<hbm>>
    tpu.enqueue_dma source(%dma_start3A_5 : memref<10000xi32, #tpu.memory_space<hbm>>) target(%arg8 : memref<10000xi32, #tpu.memory_space<vmem>>) target_semaphore(%arg13 : memref<!tpu.dma_semaphore, #tpu.memory_space<semaphore_mem>>)
    %mul3A_6 = arith.constant 632 : i32
    %mul3A_7 = arith.muli %arg1, %mul3A_6 : i32
    %dma_start3A_8 = arith.constant 0 : i32
    %dma_start3A_9 = tpu.memref_slice %arg11[%mul3A_7, %dma_start3A_8] : memref<10112x16xf32, #tpu.memory_space<vmem_shared>> -> memref<632x16xf32, #tpu.memory_space<vmem_shared>>
    tpu.enqueue_dma source(%arg5 : memref<632x16xf32, #tpu.memory_space<hbm>>) target(%dma_start3A_9 : memref<632x16xf32, #tpu.memory_space<vmem_shared>>) target_semaphore(%arg12 : memref<!tpu.dma_semaphore, #tpu.memory_space<semaphore_mem>>)
    %dma_wait3A = tpu.memref_slice %arg3[%mul3A_2] : memref<320000xi32, #tpu.memory_space<hbm>> -> memref<10000xi32, #tpu.memory_space<hbm>>
    %dma_wait3A_10 = tpu.memref_slice %arg3[%mul3A_2] : memref<320000xi32, #tpu.memory_space<hbm>> -> memref<10000xi32, #tpu.memory_space<hbm>>
    tpu.wait_dma2 semaphore(%arg14 : memref<!tpu.dma_semaphore, #tpu.memory_space<semaphore_mem>>) src(%dma_wait3A_10 : memref<10000xi32, #tpu.memory_space<hbm>>) dst(%arg7 : memref<10000xi32, #tpu.memory_space<vmem>>)
    %dma_wait3A_11 = arith.constant 0 : i32
    %dma_wait3A_12 = tpu.memref_slice %arg11[%mul3A_7, %dma_wait3A_11] : memref<10112x16xf32, #tpu.memory_space<vmem_shared>> -> memref<632x16xf32, #tpu.memory_space<vmem_shared>>
    tpu.wait_dma2 semaphore(%arg12 : memref<!tpu.dma_semaphore, #tpu.memory_space<semaphore_mem>>) src(%arg5 : memref<632x16xf32, #tpu.memory_space<hbm>>) dst(%dma_wait3A_12 : memref<632x16xf32, #tpu.memory_space<vmem_shared>>)
    %dma_wait3A_13 = tpu.memref_slice %arg4[%mul3A_2] : memref<320000xi32, #tpu.memory_space<hbm>> -> memref<10000xi32, #tpu.memory_space<hbm>>
    %dma_wait3A_14 = tpu.memref_slice %arg4[%mul3A_2] : memref<320000xi32, #tpu.memory_space<hbm>> -> memref<10000xi32, #tpu.memory_space<hbm>>
    tpu.wait_dma2 semaphore(%arg13 : memref<!tpu.dma_semaphore, #tpu.memory_space<semaphore_mem>>) src(%dma_wait3A_14 : memref<10000xi32, #tpu.memory_space<hbm>>) dst(%arg8 : memref<10000xi32, #tpu.memory_space<vmem>>)
    %dma_start3A_15 = arith.constant 0 : i32
    %dma_start3A_16 = tpu.memref_slice %arg7[%dma_start3A_15] : memref<10000xi32, #tpu.memory_space<vmem>> -> memref<2000xi32, #tpu.memory_space<vmem>>
    %dma_start3A_17 = arith.constant 0 : i32
    %dma_start3A_18 = arith.constant 0 : i32
    %dma_start3A_19 = tpu.memref_slice %arg2[%dma_start3A_17, %dma_start3A_18] : memref<10000x16xf32, #tpu.memory_space<hbm>> -> memref<10000x16xf32, #tpu.memory_space<hbm>>
    tpu.enqueue_indirect_dma source(%dma_start3A_19 : memref<10000x16xf32, #tpu.memory_space<hbm>>) target(%arg9 : memref<2000x16xf32, #tpu.memory_space<vmem>>) offsets(%dma_start3A_16 : memref<2000xi32, #tpu.memory_space<vmem>>) semaphore(%arg12 : memref<!tpu.dma_semaphore, #tpu.memory_space<semaphore_mem>>)
    %barrier3A = arith.constant 0 : index
    tpu.barrier barrier_id(%barrier3A)
    %dma_wait3A_20 = arith.constant 0 : i32
    %dma_wait3A_21 = tpu.memref_slice %arg7[%dma_wait3A_20] : memref<10000xi32, #tpu.memory_space<vmem>> -> memref<2000xi32, #tpu.memory_space<vmem>>
    %dma_wait3A_22 = arith.constant 0 : i32
    %dma_wait3A_23 = arith.constant 0 : i32
    %dma_wait3A_24 = tpu.memref_slice %arg2[%dma_wait3A_22, %dma_wait3A_23] : memref<10000x16xf32, #tpu.memory_space<hbm>> -> memref<10000x16xf32, #tpu.memory_space<hbm>>
    tpu.wait_indirect_dma semaphore(%arg12 : memref<!tpu.dma_semaphore, #tpu.memory_space<semaphore_mem>>) src(%dma_wait3A_24 : memref<10000x16xf32, #tpu.memory_space<hbm>>) dst(%arg9 : memref<2000x16xf32, #tpu.memory_space<vmem>>)
    %dma_start3A_25 = arith.constant 2000 : i32
    %dma_start3A_26 = tpu.memref_slice %arg7[%dma_start3A_25] : memref<10000xi32, #tpu.memory_space<vmem>> -> memref<2000xi32, #tpu.memory_space<vmem>>
    %dma_start3A_27 = arith.constant 0 : i32
    %dma_start3A_28 = arith.constant 0 : i32
    %dma_start3A_29 = tpu.memref_slice %arg2[%dma_start3A_27, %dma_start3A_28] : memref<10000x16xf32, #tpu.memory_space<hbm>> -> memref<10000x16xf32, #tpu.memory_space<hbm>>
    tpu.enqueue_indirect_dma source(%dma_start3A_29 : memref<10000x16xf32, #tpu.memory_space<hbm>>) target(%arg10 : memref<2000x16xf32, #tpu.memory_space<vmem>>) offsets(%dma_start3A_26 : memref<2000xi32, #tpu.memory_space<vmem>>) semaphore(%arg13 : memref<!tpu.dma_semaphore, #tpu.memory_space<semaphore_mem>>)
    "tpu.region"() ({
      %run_scoped3A = tpu.sem_alloc : memref<!tpu.dma_semaphore, #tpu.memory_space<semaphore_mem>>
      %dma_start3A_72 = arith.constant 0 : i32
      %dma_start3A_73 = tpu.memref_slice %arg8[%dma_start3A_72] : memref<10000xi32, #tpu.memory_space<vmem>> -> memref<2000xi32, #tpu.memory_space<vmem>>
      %dma_start3A_74 = arith.constant 0 : i32
      %dma_start3A_75 = arith.constant 0 : i32
      %dma_start3A_76 = tpu.memref_slice %arg11[%dma_start3A_74, %dma_start3A_75] : memref<10112x16xf32, #tpu.memory_space<vmem_shared>> -> memref<10112x16xf32, #tpu.memory_space<vmem_shared>>
      tpu.enqueue_indirect_dma source(%arg9 : memref<2000x16xf32, #tpu.memory_space<vmem>>) target(%dma_start3A_76 : memref<10112x16xf32, #tpu.memory_space<vmem_shared>>) offsets(%dma_start3A_73 : memref<2000xi32, #tpu.memory_space<vmem>>) semaphore(%run_scoped3A : memref<!tpu.dma_semaphore, #tpu.memory_space<semaphore_mem>>) {add = true}
      %dma_wait3A_77 = arith.constant 0 : i32
      %dma_wait3A_78 = tpu.memref_slice %arg8[%dma_wait3A_77] : memref<10000xi32, #tpu.memory_space<vmem>> -> memref<2000xi32, #tpu.memory_space<vmem>>
      %dma_wait3A_79 = arith.constant 0 : i32
      %dma_wait3A_80 = arith.constant 0 : i32
      %dma_wait3A_81 = tpu.memref_slice %arg11[%dma_wait3A_79, %dma_wait3A_80] : memref<10112x16xf32, #tpu.memory_space<vmem_shared>> -> memref<10112x16xf32, #tpu.memory_space<vmem_shared>>
      tpu.wait_indirect_dma semaphore(%run_scoped3A : memref<!tpu.dma_semaphore, #tpu.memory_space<semaphore_mem>>) src(%arg9 : memref<2000x16xf32, #tpu.memory_space<vmem>>) dst(%dma_wait3A_81 : memref<10112x16xf32, #tpu.memory_space<vmem_shared>>)
      tpu.yield
    }) : () -> ()
    %dma_wait3A_30 = arith.constant 2000 : i32
    %dma_wait3A_31 = tpu.memref_slice %arg7[%dma_wait3A_30] : memref<10000xi32, #tpu.memory_space<vmem>> -> memref<2000xi32, #tpu.memory_space<vmem>>
    %dma_wait3A_32 = arith.constant 0 : i32
    %dma_wait3A_33 = arith.constant 0 : i32
    %dma_wait3A_34 = tpu.memref_slice %arg2[%dma_wait3A_32, %dma_wait3A_33] : memref<10000x16xf32, #tpu.memory_space<hbm>> -> memref<10000x16xf32, #tpu.memory_space<hbm>>
    tpu.wait_indirect_dma semaphore(%arg13 : memref<!tpu.dma_semaphore, #tpu.memory_space<semaphore_mem>>) src(%dma_wait3A_34 : memref<10000x16xf32, #tpu.memory_space<hbm>>) dst(%arg10 : memref<2000x16xf32, #tpu.memory_space<vmem>>)
    %dma_start3A_35 = arith.constant 4000 : i32
    %dma_start3A_36 = tpu.memref_slice %arg7[%dma_start3A_35] : memref<10000xi32, #tpu.memory_space<vmem>> -> memref<2000xi32, #tpu.memory_space<vmem>>
    %dma_start3A_37 = arith.constant 0 : i32
    %dma_start3A_38 = arith.constant 0 : i32
    %dma_start3A_39 = tpu.memref_slice %arg2[%dma_start3A_37, %dma_start3A_38] : memref<10000x16xf32, #tpu.memory_space<hbm>> -> memref<10000x16xf32, #tpu.memory_space<hbm>>
    tpu.enqueue_indirect_dma source(%dma_start3A_39 : memref<10000x16xf32, #tpu.memory_space<hbm>>) target(%arg9 : memref<2000x16xf32, #tpu.memory_space<vmem>>) offsets(%dma_start3A_36 : memref<2000xi32, #tpu.memory_space<vmem>>) semaphore(%arg12 : memref<!tpu.dma_semaphore, #tpu.memory_space<semaphore_mem>>)
    "tpu.region"() ({
      %run_scoped3A = tpu.sem_alloc : memref<!tpu.dma_semaphore, #tpu.memory_space<semaphore_mem>>
      %dma_start3A_72 = arith.constant 2000 : i32
      %dma_start3A_73 = tpu.memref_slice %arg8[%dma_start3A_72] : memref<10000xi32, #tpu.memory_space<vmem>> -> memref<2000xi32, #tpu.memory_space<vmem>>
      %dma_start3A_74 = arith.constant 0 : i32
      %dma_start3A_75 = arith.constant 0 : i32
      %dma_start3A_76 = tpu.memref_slice %arg11[%dma_start3A_74, %dma_start3A_75] : memref<10112x16xf32, #tpu.memory_space<vmem_shared>> -> memref<10112x16xf32, #tpu.memory_space<vmem_shared>>
      tpu.enqueue_indirect_dma source(%arg10 : memref<2000x16xf32, #tpu.memory_space<vmem>>) target(%dma_start3A_76 : memref<10112x16xf32, #tpu.memory_space<vmem_shared>>) offsets(%dma_start3A_73 : memref<2000xi32, #tpu.memory_space<vmem>>) semaphore(%run_scoped3A : memref<!tpu.dma_semaphore, #tpu.memory_space<semaphore_mem>>) {add = true}
      %dma_wait3A_77 = arith.constant 2000 : i32
      %dma_wait3A_78 = tpu.memref_slice %arg8[%dma_wait3A_77] : memref<10000xi32, #tpu.memory_space<vmem>> -> memref<2000xi32, #tpu.memory_space<vmem>>
      %dma_wait3A_79 = arith.constant 0 : i32
      %dma_wait3A_80 = arith.constant 0 : i32
      %dma_wait3A_81 = tpu.memref_slice %arg11[%dma_wait3A_79, %dma_wait3A_80] : memref<10112x16xf32, #tpu.memory_space<vmem_shared>> -> memref<10112x16xf32, #tpu.memory_space<vmem_shared>>
      tpu.wait_indirect_dma semaphore(%run_scoped3A : memref<!tpu.dma_semaphore, #tpu.memory_space<semaphore_mem>>) src(%arg10 : memref<2000x16xf32, #tpu.memory_space<vmem>>) dst(%dma_wait3A_81 : memref<10112x16xf32, #tpu.memory_space<vmem_shared>>)
      tpu.yield
    }) : () -> ()
    %dma_wait3A_40 = arith.constant 4000 : i32
    %dma_wait3A_41 = tpu.memref_slice %arg7[%dma_wait3A_40] : memref<10000xi32, #tpu.memory_space<vmem>> -> memref<2000xi32, #tpu.memory_space<vmem>>
    %dma_wait3A_42 = arith.constant 0 : i32
    %dma_wait3A_43 = arith.constant 0 : i32
    %dma_wait3A_44 = tpu.memref_slice %arg2[%dma_wait3A_42, %dma_wait3A_43] : memref<10000x16xf32, #tpu.memory_space<hbm>> -> memref<10000x16xf32, #tpu.memory_space<hbm>>
    tpu.wait_indirect_dma semaphore(%arg12 : memref<!tpu.dma_semaphore, #tpu.memory_space<semaphore_mem>>) src(%dma_wait3A_44 : memref<10000x16xf32, #tpu.memory_space<hbm>>) dst(%arg9 : memref<2000x16xf32, #tpu.memory_space<vmem>>)
    %dma_start3A_45 = arith.constant 6000 : i32
    %dma_start3A_46 = tpu.memref_slice %arg7[%dma_start3A_45] : memref<10000xi32, #tpu.memory_space<vmem>> -> memref<2000xi32, #tpu.memory_space<vmem>>
    %dma_start3A_47 = arith.constant 0 : i32
    %dma_start3A_48 = arith.constant 0 : i32
    %dma_start3A_49 = tpu.memref_slice %arg2[%dma_start3A_47, %dma_start3A_48] : memref<10000x16xf32, #tpu.memory_space<hbm>> -> memref<10000x16xf32, #tpu.memory_space<hbm>>
    tpu.enqueue_indirect_dma source(%dma_start3A_49 : memref<10000x16xf32, #tpu.memory_space<hbm>>) target(%arg10 : memref<2000x16xf32, #tpu.memory_space<vmem>>) offsets(%dma_start3A_46 : memref<2000xi32, #tpu.memory_space<vmem>>) semaphore(%arg13 : memref<!tpu.dma_semaphore, #tpu.memory_space<semaphore_mem>>)
    "tpu.region"() ({
      %run_scoped3A = tpu.sem_alloc : memref<!tpu.dma_semaphore, #tpu.memory_space<semaphore_mem>>
      %dma_start3A_72 = arith.constant 4000 : i32
      %dma_start3A_73 = tpu.memref_slice %arg8[%dma_start3A_72] : memref<10000xi32, #tpu.memory_space<vmem>> -> memref<2000xi32, #tpu.memory_space<vmem>>
      %dma_start3A_74 = arith.constant 0 : i32
      %dma_start3A_75 = arith.constant 0 : i32
      %dma_start3A_76 = tpu.memref_slice %arg11[%dma_start3A_74, %dma_start3A_75] : memref<10112x16xf32, #tpu.memory_space<vmem_shared>> -> memref<10112x16xf32, #tpu.memory_space<vmem_shared>>
      tpu.enqueue_indirect_dma source(%arg9 : memref<2000x16xf32, #tpu.memory_space<vmem>>) target(%dma_start3A_76 : memref<10112x16xf32, #tpu.memory_space<vmem_shared>>) offsets(%dma_start3A_73 : memref<2000xi32, #tpu.memory_space<vmem>>) semaphore(%run_scoped3A : memref<!tpu.dma_semaphore, #tpu.memory_space<semaphore_mem>>) {add = true}
      %dma_wait3A_77 = arith.constant 4000 : i32
      %dma_wait3A_78 = tpu.memref_slice %arg8[%dma_wait3A_77] : memref<10000xi32, #tpu.memory_space<vmem>> -> memref<2000xi32, #tpu.memory_space<vmem>>
      %dma_wait3A_79 = arith.constant 0 : i32
      %dma_wait3A_80 = arith.constant 0 : i32
      %dma_wait3A_81 = tpu.memref_slice %arg11[%dma_wait3A_79, %dma_wait3A_80] : memref<10112x16xf32, #tpu.memory_space<vmem_shared>> -> memref<10112x16xf32, #tpu.memory_space<vmem_shared>>
      tpu.wait_indirect_dma semaphore(%run_scoped3A : memref<!tpu.dma_semaphore, #tpu.memory_space<semaphore_mem>>) src(%arg9 : memref<2000x16xf32, #tpu.memory_space<vmem>>) dst(%dma_wait3A_81 : memref<10112x16xf32, #tpu.memory_space<vmem_shared>>)
      tpu.yield
    }) : () -> ()
    %dma_wait3A_50 = arith.constant 6000 : i32
    %dma_wait3A_51 = tpu.memref_slice %arg7[%dma_wait3A_50] : memref<10000xi32, #tpu.memory_space<vmem>> -> memref<2000xi32, #tpu.memory_space<vmem>>
    %dma_wait3A_52 = arith.constant 0 : i32
    %dma_wait3A_53 = arith.constant 0 : i32
    %dma_wait3A_54 = tpu.memref_slice %arg2[%dma_wait3A_52, %dma_wait3A_53] : memref<10000x16xf32, #tpu.memory_space<hbm>> -> memref<10000x16xf32, #tpu.memory_space<hbm>>
    tpu.wait_indirect_dma semaphore(%arg13 : memref<!tpu.dma_semaphore, #tpu.memory_space<semaphore_mem>>) src(%dma_wait3A_54 : memref<10000x16xf32, #tpu.memory_space<hbm>>) dst(%arg10 : memref<2000x16xf32, #tpu.memory_space<vmem>>)
    %dma_start3A_55 = arith.constant 8000 : i32
    %dma_start3A_56 = tpu.memref_slice %arg7[%dma_start3A_55] : memref<10000xi32, #tpu.memory_space<vmem>> -> memref<2000xi32, #tpu.memory_space<vmem>>
    %dma_start3A_57 = arith.constant 0 : i32
    %dma_start3A_58 = arith.constant 0 : i32
    %dma_start3A_59 = tpu.memref_slice %arg2[%dma_start3A_57, %dma_start3A_58] : memref<10000x16xf32, #tpu.memory_space<hbm>> -> memref<10000x16xf32, #tpu.memory_space<hbm>>
    tpu.enqueue_indirect_dma source(%dma_start3A_59 : memref<10000x16xf32, #tpu.memory_space<hbm>>) target(%arg9 : memref<2000x16xf32, #tpu.memory_space<vmem>>) offsets(%dma_start3A_56 : memref<2000xi32, #tpu.memory_space<vmem>>) semaphore(%arg12 : memref<!tpu.dma_semaphore, #tpu.memory_space<semaphore_mem>>)
    "tpu.region"() ({
      %run_scoped3A = tpu.sem_alloc : memref<!tpu.dma_semaphore, #tpu.memory_space<semaphore_mem>>
      %dma_start3A_72 = arith.constant 6000 : i32
      %dma_start3A_73 = tpu.memref_slice %arg8[%dma_start3A_72] : memref<10000xi32, #tpu.memory_space<vmem>> -> memref<2000xi32, #tpu.memory_space<vmem>>
      %dma_start3A_74 = arith.constant 0 : i32
      %dma_start3A_75 = arith.constant 0 : i32
      %dma_start3A_76 = tpu.memref_slice %arg11[%dma_start3A_74, %dma_start3A_75] : memref<10112x16xf32, #tpu.memory_space<vmem_shared>> -> memref<10112x16xf32, #tpu.memory_space<vmem_shared>>
      tpu.enqueue_indirect_dma source(%arg10 : memref<2000x16xf32, #tpu.memory_space<vmem>>) target(%dma_start3A_76 : memref<10112x16xf32, #tpu.memory_space<vmem_shared>>) offsets(%dma_start3A_73 : memref<2000xi32, #tpu.memory_space<vmem>>) semaphore(%run_scoped3A : memref<!tpu.dma_semaphore, #tpu.memory_space<semaphore_mem>>) {add = true}
      %dma_wait3A_77 = arith.constant 6000 : i32
      %dma_wait3A_78 = tpu.memref_slice %arg8[%dma_wait3A_77] : memref<10000xi32, #tpu.memory_space<vmem>> -> memref<2000xi32, #tpu.memory_space<vmem>>
      %dma_wait3A_79 = arith.constant 0 : i32
      %dma_wait3A_80 = arith.constant 0 : i32
      %dma_wait3A_81 = tpu.memref_slice %arg11[%dma_wait3A_79, %dma_wait3A_80] : memref<10112x16xf32, #tpu.memory_space<vmem_shared>> -> memref<10112x16xf32, #tpu.memory_space<vmem_shared>>
      tpu.wait_indirect_dma semaphore(%run_scoped3A : memref<!tpu.dma_semaphore, #tpu.memory_space<semaphore_mem>>) src(%arg10 : memref<2000x16xf32, #tpu.memory_space<vmem>>) dst(%dma_wait3A_81 : memref<10112x16xf32, #tpu.memory_space<vmem_shared>>)
      tpu.yield
    }) : () -> ()
    %dma_wait3A_60 = arith.constant 8000 : i32
    %dma_wait3A_61 = tpu.memref_slice %arg7[%dma_wait3A_60] : memref<10000xi32, #tpu.memory_space<vmem>> -> memref<2000xi32, #tpu.memory_space<vmem>>
    %dma_wait3A_62 = arith.constant 0 : i32
    %dma_wait3A_63 = arith.constant 0 : i32
    %dma_wait3A_64 = tpu.memref_slice %arg2[%dma_wait3A_62, %dma_wait3A_63] : memref<10000x16xf32, #tpu.memory_space<hbm>> -> memref<10000x16xf32, #tpu.memory_space<hbm>>
    tpu.wait_indirect_dma semaphore(%arg12 : memref<!tpu.dma_semaphore, #tpu.memory_space<semaphore_mem>>) src(%dma_wait3A_64 : memref<10000x16xf32, #tpu.memory_space<hbm>>) dst(%arg9 : memref<2000x16xf32, #tpu.memory_space<vmem>>)
    "tpu.region"() ({
      %run_scoped3A = tpu.sem_alloc : memref<!tpu.dma_semaphore, #tpu.memory_space<semaphore_mem>>
      %dma_start3A_72 = arith.constant 8000 : i32
      %dma_start3A_73 = tpu.memref_slice %arg8[%dma_start3A_72] : memref<10000xi32, #tpu.memory_space<vmem>> -> memref<2000xi32, #tpu.memory_space<vmem>>
      %dma_start3A_74 = arith.constant 0 : i32
      %dma_start3A_75 = arith.constant 0 : i32
      %dma_start3A_76 = tpu.memref_slice %arg11[%dma_start3A_74, %dma_start3A_75] : memref<10112x16xf32, #tpu.memory_space<vmem_shared>> -> memref<10112x16xf32, #tpu.memory_space<vmem_shared>>
      tpu.enqueue_indirect_dma source(%arg9 : memref<2000x16xf32, #tpu.memory_space<vmem>>) target(%dma_start3A_76 : memref<10112x16xf32, #tpu.memory_space<vmem_shared>>) offsets(%dma_start3A_73 : memref<2000xi32, #tpu.memory_space<vmem>>) semaphore(%run_scoped3A : memref<!tpu.dma_semaphore, #tpu.memory_space<semaphore_mem>>) {add = true}
      %dma_wait3A_77 = arith.constant 8000 : i32
      %dma_wait3A_78 = tpu.memref_slice %arg8[%dma_wait3A_77] : memref<10000xi32, #tpu.memory_space<vmem>> -> memref<2000xi32, #tpu.memory_space<vmem>>
      %dma_wait3A_79 = arith.constant 0 : i32
      %dma_wait3A_80 = arith.constant 0 : i32
      %dma_wait3A_81 = tpu.memref_slice %arg11[%dma_wait3A_79, %dma_wait3A_80] : memref<10112x16xf32, #tpu.memory_space<vmem_shared>> -> memref<10112x16xf32, #tpu.memory_space<vmem_shared>>
      tpu.wait_indirect_dma semaphore(%run_scoped3A : memref<!tpu.dma_semaphore, #tpu.memory_space<semaphore_mem>>) src(%arg9 : memref<2000x16xf32, #tpu.memory_space<vmem>>) dst(%dma_wait3A_81 : memref<10112x16xf32, #tpu.memory_space<vmem_shared>>)
      tpu.yield
    }) : () -> ()
    %barrier3A_65 = arith.constant 0 : index
    tpu.barrier barrier_id(%barrier3A_65)
    %lt3A = arith.constant 15 : i32
    %lt3A_66 = arith.cmpi slt, %arg1, %lt3A : i32
    %convert_element_type3A = arith.extui %lt3A_66 : i1 to i32
    %cond3A = arith.constant 0 : i32
    %cond3A_67 = arith.cmpi ne, %convert_element_type3A, %cond3A : i32
    scf.if %cond3A_67 {
      %mul3A_72 = arith.constant 632 : i32
      %mul3A_73 = arith.muli %arg1, %mul3A_72 : i32
      %mul3A_74 = arith.constant 632 : i32
      %mul3A_75 = arith.muli %arg1, %mul3A_74 : i32
      "tpu.region"() ({
        %run_scoped3A = tpu.sem_alloc : memref<!tpu.dma_semaphore, #tpu.memory_space<semaphore_mem>>
        %dma_start3A_76 = arith.constant 0 : i32
        %dma_start3A_77 = tpu.memref_slice %arg6[%arg0, %mul3A_75, %dma_start3A_76] : memref<2x10000x16xf32, #tpu.memory_space<hbm>> -> memref<1x632x16xf32, #tpu.memory_space<hbm>>
        %dma_start3A_78 = tpu.memref_squeeze %dma_start3A_77 : memref<1x632x16xf32, #tpu.memory_space<hbm>> -> memref<632x16xf32, #tpu.memory_space<hbm>>
        %dma_start3A_79 = arith.constant 0 : i32
        %dma_start3A_80 = tpu.memref_slice %arg11[%mul3A_73, %dma_start3A_79] : memref<10112x16xf32, #tpu.memory_space<vmem_shared>> -> memref<632x16xf32, #tpu.memory_space<vmem_shared>>
        tpu.enqueue_dma source(%dma_start3A_80 : memref<632x16xf32, #tpu.memory_space<vmem_shared>>) target(%dma_start3A_78 : memref<632x16xf32, #tpu.memory_space<hbm>>) target_semaphore(%run_scoped3A : memref<!tpu.dma_semaphore, #tpu.memory_space<semaphore_mem>>)
        %dma_wait3A_81 = arith.constant 0 : i32
        %dma_wait3A_82 = tpu.memref_slice %arg6[%arg0, %mul3A_75, %dma_wait3A_81] : memref<2x10000x16xf32, #tpu.memory_space<hbm>> -> memref<1x632x16xf32, #tpu.memory_space<hbm>>
        %dma_wait3A_83 = tpu.memref_squeeze %dma_wait3A_82 : memref<1x632x16xf32, #tpu.memory_space<hbm>> -> memref<632x16xf32, #tpu.memory_space<hbm>>
        %dma_wait3A_84 = arith.constant 0 : i32
        %dma_wait3A_85 = tpu.memref_slice %arg11[%mul3A_73, %dma_wait3A_84] : memref<10112x16xf32, #tpu.memory_space<vmem_shared>> -> memref<632x16xf32, #tpu.memory_space<vmem_shared>>
        tpu.wait_dma2 semaphore(%run_scoped3A : memref<!tpu.dma_semaphore, #tpu.memory_space<semaphore_mem>>) src(%dma_wait3A_85 : memref<632x16xf32, #tpu.memory_space<vmem_shared>>) dst(%dma_wait3A_83 : memref<632x16xf32, #tpu.memory_space<hbm>>)
        tpu.yield
      }) : () -> ()
    } else {
    }
    %eq3A = arith.constant 15 : i32
    %eq3A_68 = arith.cmpi eq, %arg1, %eq3A : i32
    %convert_element_type3A_69 = arith.extui %eq3A_68 : i1 to i32
    %cond3A_70 = arith.constant 0 : i32
    %cond3A_71 = arith.cmpi ne, %convert_element_type3A_69, %cond3A_70 : i32
    scf.if %cond3A_71 {
      "tpu.region"() ({
        %run_scoped3A = tpu.sem_alloc : memref<!tpu.dma_semaphore, #tpu.memory_space<semaphore_mem>>
        %dma_start3A_72 = arith.constant 9480 : i32
        %dma_start3A_73 = arith.constant 0 : i32
        %dma_start3A_74 = tpu.memref_slice %arg6[%arg0, %dma_start3A_72, %dma_start3A_73] : memref<2x10000x16xf32, #tpu.memory_space<hbm>> -> memref<1x520x16xf32, #tpu.memory_space<hbm>>
        %dma_start3A_75 = tpu.memref_squeeze %dma_start3A_74 : memref<1x520x16xf32, #tpu.memory_space<hbm>> -> memref<520x16xf32, #tpu.memory_space<hbm>>
        %dma_start3A_76 = arith.constant 9480 : i32
        %dma_start3A_77 = arith.constant 0 : i32
        %dma_start3A_78 = tpu.memref_slice %arg11[%dma_start3A_76, %dma_start3A_77] : memref<10112x16xf32, #tpu.memory_space<vmem_shared>> -> memref<520x16xf32, #tpu.memory_space<vmem_shared>>
        tpu.enqueue_dma source(%dma_start3A_78 : memref<520x16xf32, #tpu.memory_space<vmem_shared>>) target(%dma_start3A_75 : memref<520x16xf32, #tpu.memory_space<hbm>>) target_semaphore(%run_scoped3A : memref<!tpu.dma_semaphore, #tpu.memory_space<semaphore_mem>>)
        %dma_wait3A_79 = arith.constant 9480 : i32
        %dma_wait3A_80 = arith.constant 0 : i32
        %dma_wait3A_81 = tpu.memref_slice %arg6[%arg0, %dma_wait3A_79, %dma_wait3A_80] : memref<2x10000x16xf32, #tpu.memory_space<hbm>> -> memref<1x520x16xf32, #tpu.memory_space<hbm>>
        %dma_wait3A_82 = tpu.memref_squeeze %dma_wait3A_81 : memref<1x520x16xf32, #tpu.memory_space<hbm>> -> memref<520x16xf32, #tpu.memory_space<hbm>>
        %dma_wait3A_83 = arith.constant 9480 : i32
        %dma_wait3A_84 = arith.constant 0 : i32
        %dma_wait3A_85 = tpu.memref_slice %arg11[%dma_wait3A_83, %dma_wait3A_84] : memref<10112x16xf32, #tpu.memory_space<vmem_shared>> -> memref<520x16xf32, #tpu.memory_space<vmem_shared>>
        tpu.wait_dma2 semaphore(%run_scoped3A : memref<!tpu.dma_semaphore, #tpu.memory_space<semaphore_mem>>) src(%dma_wait3A_85 : memref<520x16xf32, #tpu.memory_space<vmem_shared>>) dst(%dma_wait3A_82 : memref<520x16xf32, #tpu.memory_space<hbm>>)
        tpu.yield
      }) : () -> ()
    } else {
    }
    return
  }
}

#map = affine_map<(d0, d1) -> (0, 0, 0)>
#map1 = affine_map<(d0, d1) -> (0, 0)>
#map2 = affine_map<(d0, d1) -> (0)>
module attributes {stable_mosaic.version = 14 : i64} {
  func.func @_fused_body(%arg0: i32, %arg1: i32, %arg2: memref<2x10000x16xf32, #tpu.memory_space<hbm>>, %arg3: memref<10000x16xf32, #tpu.memory_space<hbm>>, %arg4: memref<320000xi32, #tpu.memory_space<hbm>>, %arg5: memref<320000xi32, #tpu.memory_space<hbm>>, %arg6: memref<632x16xf32, #tpu.memory_space<hbm>>, %arg7: memref<2x10000x16xf32, #tpu.memory_space<hbm>>, %arg8: memref<2x10000x16xf32, #tpu.memory_space<hbm>>, %arg9: memref<10000xi32, #tpu.memory_space<vmem>>, %arg10: memref<10000xi32, #tpu.memory_space<vmem>>, %arg11: memref<2000x16xf32, #tpu.memory_space<vmem>>, %arg12: memref<2000x16xf32, #tpu.memory_space<vmem>>, %arg13: memref<632x16xf32, #tpu.memory_space<vmem>>, %arg14: memref<10112x16xf32, #tpu.memory_space<vmem_shared>>, %arg15: memref<!tpu.dma_semaphore, #tpu.memory_space<semaphore_mem>>, %arg16: memref<!tpu.dma_semaphore, #tpu.memory_space<semaphore_mem>>, %arg17: memref<!tpu.dma_semaphore, #tpu.memory_space<semaphore_mem>>, %arg18: memref<!tpu.dma_semaphore, #tpu.memory_space<semaphore_mem>>) attributes {dimension_semantics = [#tpu.dimension_semantics<core_parallel>, #tpu.dimension_semantics<subcore_parallel>], iteration_bounds = array<i64: 2, 16>, scalar_prefetch = 0 : i64, scratch_operands = 10 : i64, tpu.core_type = #tpu.core_type<sc_vector_subcore>, window_params = [{transform_indices = #map}, {transform_indices = #map1}, {transform_indices = #map2}, {transform_indices = #map2}, {transform_indices = #map1}, {transform_indices = #map}, {transform_indices = #map}]} {
    %mul3A = arith.constant 16 : i32
    %mul3A_0 = arith.muli %arg0, %mul3A : i32
    %add3A = arith.addi %mul3A_0, %arg1 : i32
    %mul3A_1 = arith.constant 10000 : i32
    %mul3A_2 = arith.muli %add3A, %mul3A_1 : i32
    %dma_start3A = tpu.memref_slice %arg4[%mul3A_2] : memref<320000xi32, #tpu.memory_space<hbm>> -> memref<10000xi32, #tpu.memory_space<hbm>>
    %dma_start3A_3 = tpu.memref_slice %arg4[%mul3A_2] : memref<320000xi32, #tpu.memory_space<hbm>> -> memref<10000xi32, #tpu.memory_space<hbm>>
    tpu.enqueue_dma source(%dma_start3A_3 : memref<10000xi32, #tpu.memory_space<hbm>>) target(%arg9 : memref<10000xi32, #tpu.memory_space<vmem>>) target_semaphore(%arg17 : memref<!tpu.dma_semaphore, #tpu.memory_space<semaphore_mem>>)
    %dma_start3A_4 = tpu.memref_slice %arg5[%mul3A_2] : memref<320000xi32, #tpu.memory_space<hbm>> -> memref<10000xi32, #tpu.memory_space<hbm>>
    %dma_start3A_5 = tpu.memref_slice %arg5[%mul3A_2] : memref<320000xi32, #tpu.memory_space<hbm>> -> memref<10000xi32, #tpu.memory_space<hbm>>
    tpu.enqueue_dma source(%dma_start3A_5 : memref<10000xi32, #tpu.memory_space<hbm>>) target(%arg10 : memref<10000xi32, #tpu.memory_space<vmem>>) target_semaphore(%arg16 : memref<!tpu.dma_semaphore, #tpu.memory_space<semaphore_mem>>)
    %mul3A_6 = arith.constant 632 : i32
    %mul3A_7 = arith.muli %arg1, %mul3A_6 : i32
    %dma_start3A_8 = arith.constant 0 : i32
    %dma_start3A_9 = tpu.memref_slice %arg14[%mul3A_7, %dma_start3A_8] : memref<10112x16xf32, #tpu.memory_space<vmem_shared>> -> memref<632x16xf32, #tpu.memory_space<vmem_shared>>
    tpu.enqueue_dma source(%arg6 : memref<632x16xf32, #tpu.memory_space<hbm>>) target(%dma_start3A_9 : memref<632x16xf32, #tpu.memory_space<vmem_shared>>) target_semaphore(%arg15 : memref<!tpu.dma_semaphore, #tpu.memory_space<semaphore_mem>>)
    %lt3A = arith.constant 15 : i32
    %lt3A_10 = arith.cmpi slt, %arg1, %lt3A : i32
    %convert_element_type3A = arith.extui %lt3A_10 : i1 to i32
    %cond3A = arith.constant 0 : i32
    %cond3A_11 = arith.cmpi ne, %convert_element_type3A, %cond3A : i32
    scf.if %cond3A_11 {
      %mul3A_122 = arith.constant 632 : i32
      %mul3A_123 = arith.muli %arg1, %mul3A_122 : i32
      %dma_start3A_124 = arith.constant 0 : i32
      %dma_start3A_125 = arith.constant 0 : i32
      %dma_start3A_126 = arith.constant 0 : i32
      %dma_start3A_127 = tpu.memref_slice %arg11[%dma_start3A_125, %dma_start3A_126] : memref<2000x16xf32, #tpu.memory_space<vmem>> -> memref<632x16xf32, #tpu.memory_space<vmem>>
      %dma_start3A_128 = arith.constant 0 : i32
      %dma_start3A_129 = tpu.memref_slice %arg2[%dma_start3A_124, %mul3A_123, %dma_start3A_128] : memref<2x10000x16xf32, #tpu.memory_space<hbm>> -> memref<1x632x16xf32, #tpu.memory_space<hbm>>
      %dma_start3A_130 = tpu.memref_squeeze %dma_start3A_129 : memref<1x632x16xf32, #tpu.memory_space<hbm>> -> memref<632x16xf32, #tpu.memory_space<hbm>>
      %dma_start3A_131 = arith.constant 0 : i32
      %dma_start3A_132 = arith.constant 0 : i32
      %dma_start3A_133 = tpu.memref_slice %arg11[%dma_start3A_131, %dma_start3A_132] : memref<2000x16xf32, #tpu.memory_space<vmem>> -> memref<632x16xf32, #tpu.memory_space<vmem>>
      %dma_start3A_134 = arith.constant 0 : i32
      %dma_start3A_135 = tpu.memref_slice %arg2[%dma_start3A_124, %mul3A_123, %dma_start3A_134] : memref<2x10000x16xf32, #tpu.memory_space<hbm>> -> memref<1x632x16xf32, #tpu.memory_space<hbm>>
      %dma_start3A_136 = tpu.memref_squeeze %dma_start3A_135 : memref<1x632x16xf32, #tpu.memory_space<hbm>> -> memref<632x16xf32, #tpu.memory_space<hbm>>
      tpu.enqueue_dma source(%dma_start3A_136 : memref<632x16xf32, #tpu.memory_space<hbm>>) target(%dma_start3A_133 : memref<632x16xf32, #tpu.memory_space<vmem>>) target_semaphore(%arg18 : memref<!tpu.dma_semaphore, #tpu.memory_space<semaphore_mem>>)
      %dma_start3A_137 = arith.constant 1 : i32
      %dma_start3A_138 = arith.constant 0 : i32
      %dma_start3A_139 = arith.constant 0 : i32
      %dma_start3A_140 = tpu.memref_slice %arg12[%dma_start3A_138, %dma_start3A_139] : memref<2000x16xf32, #tpu.memory_space<vmem>> -> memref<632x16xf32, #tpu.memory_space<vmem>>
      %dma_start3A_141 = arith.constant 0 : i32
      %dma_start3A_142 = tpu.memref_slice %arg2[%dma_start3A_137, %mul3A_123, %dma_start3A_141] : memref<2x10000x16xf32, #tpu.memory_space<hbm>> -> memref<1x632x16xf32, #tpu.memory_space<hbm>>
      %dma_start3A_143 = tpu.memref_squeeze %dma_start3A_142 : memref<1x632x16xf32, #tpu.memory_space<hbm>> -> memref<632x16xf32, #tpu.memory_space<hbm>>
      %dma_start3A_144 = arith.constant 0 : i32
      %dma_start3A_145 = arith.constant 0 : i32
      %dma_start3A_146 = tpu.memref_slice %arg12[%dma_start3A_144, %dma_start3A_145] : memref<2000x16xf32, #tpu.memory_space<vmem>> -> memref<632x16xf32, #tpu.memory_space<vmem>>
      %dma_start3A_147 = arith.constant 0 : i32
      %dma_start3A_148 = tpu.memref_slice %arg2[%dma_start3A_137, %mul3A_123, %dma_start3A_147] : memref<2x10000x16xf32, #tpu.memory_space<hbm>> -> memref<1x632x16xf32, #tpu.memory_space<hbm>>
      %dma_start3A_149 = tpu.memref_squeeze %dma_start3A_148 : memref<1x632x16xf32, #tpu.memory_space<hbm>> -> memref<632x16xf32, #tpu.memory_space<hbm>>
      tpu.enqueue_dma source(%dma_start3A_149 : memref<632x16xf32, #tpu.memory_space<hbm>>) target(%dma_start3A_146 : memref<632x16xf32, #tpu.memory_space<vmem>>) target_semaphore(%arg18 : memref<!tpu.dma_semaphore, #tpu.memory_space<semaphore_mem>>)
      %dma_start3A_150 = arith.constant 0 : i32
      %dma_start3A_151 = arith.constant 0 : i32
      %dma_start3A_152 = tpu.memref_slice %arg13[%dma_start3A_150, %dma_start3A_151] : memref<632x16xf32, #tpu.memory_space<vmem>> -> memref<632x16xf32, #tpu.memory_space<vmem>>
      %dma_start3A_153 = arith.constant 0 : i32
      %dma_start3A_154 = tpu.memref_slice %arg3[%mul3A_123, %dma_start3A_153] : memref<10000x16xf32, #tpu.memory_space<hbm>> -> memref<632x16xf32, #tpu.memory_space<hbm>>
      %dma_start3A_155 = arith.constant 0 : i32
      %dma_start3A_156 = arith.constant 0 : i32
      %dma_start3A_157 = tpu.memref_slice %arg13[%dma_start3A_155, %dma_start3A_156] : memref<632x16xf32, #tpu.memory_space<vmem>> -> memref<632x16xf32, #tpu.memory_space<vmem>>
      %dma_start3A_158 = arith.constant 0 : i32
      %dma_start3A_159 = tpu.memref_slice %arg3[%mul3A_123, %dma_start3A_158] : memref<10000x16xf32, #tpu.memory_space<hbm>> -> memref<632x16xf32, #tpu.memory_space<hbm>>
      tpu.enqueue_dma source(%dma_start3A_159 : memref<632x16xf32, #tpu.memory_space<hbm>>) target(%dma_start3A_157 : memref<632x16xf32, #tpu.memory_space<vmem>>) target_semaphore(%arg18 : memref<!tpu.dma_semaphore, #tpu.memory_space<semaphore_mem>>)
      %dma_wait3A_160 = arith.constant 0 : i32
      %dma_wait3A_161 = arith.constant 0 : i32
      %dma_wait3A_162 = arith.constant 0 : i32
      %dma_wait3A_163 = tpu.memref_slice %arg11[%dma_wait3A_161, %dma_wait3A_162] : memref<2000x16xf32, #tpu.memory_space<vmem>> -> memref<632x16xf32, #tpu.memory_space<vmem>>
      %dma_wait3A_164 = arith.constant 0 : i32
      %dma_wait3A_165 = tpu.memref_slice %arg2[%dma_wait3A_160, %mul3A_123, %dma_wait3A_164] : memref<2x10000x16xf32, #tpu.memory_space<hbm>> -> memref<1x632x16xf32, #tpu.memory_space<hbm>>
      %dma_wait3A_166 = tpu.memref_squeeze %dma_wait3A_165 : memref<1x632x16xf32, #tpu.memory_space<hbm>> -> memref<632x16xf32, #tpu.memory_space<hbm>>
      %dma_wait3A_167 = arith.constant 0 : i32
      %dma_wait3A_168 = arith.constant 0 : i32
      %dma_wait3A_169 = tpu.memref_slice %arg11[%dma_wait3A_167, %dma_wait3A_168] : memref<2000x16xf32, #tpu.memory_space<vmem>> -> memref<632x16xf32, #tpu.memory_space<vmem>>
      %dma_wait3A_170 = arith.constant 0 : i32
      %dma_wait3A_171 = tpu.memref_slice %arg2[%dma_wait3A_160, %mul3A_123, %dma_wait3A_170] : memref<2x10000x16xf32, #tpu.memory_space<hbm>> -> memref<1x632x16xf32, #tpu.memory_space<hbm>>
      %dma_wait3A_172 = tpu.memref_squeeze %dma_wait3A_171 : memref<1x632x16xf32, #tpu.memory_space<hbm>> -> memref<632x16xf32, #tpu.memory_space<hbm>>
      tpu.wait_dma2 semaphore(%arg18 : memref<!tpu.dma_semaphore, #tpu.memory_space<semaphore_mem>>) src(%dma_wait3A_172 : memref<632x16xf32, #tpu.memory_space<hbm>>) dst(%dma_wait3A_169 : memref<632x16xf32, #tpu.memory_space<vmem>>)
      %dma_wait3A_173 = arith.constant 1 : i32
      %dma_wait3A_174 = arith.constant 0 : i32
      %dma_wait3A_175 = arith.constant 0 : i32
      %dma_wait3A_176 = tpu.memref_slice %arg12[%dma_wait3A_174, %dma_wait3A_175] : memref<2000x16xf32, #tpu.memory_space<vmem>> -> memref<632x16xf32, #tpu.memory_space<vmem>>
      %dma_wait3A_177 = arith.constant 0 : i32
      %dma_wait3A_178 = tpu.memref_slice %arg2[%dma_wait3A_173, %mul3A_123, %dma_wait3A_177] : memref<2x10000x16xf32, #tpu.memory_space<hbm>> -> memref<1x632x16xf32, #tpu.memory_space<hbm>>
      %dma_wait3A_179 = tpu.memref_squeeze %dma_wait3A_178 : memref<1x632x16xf32, #tpu.memory_space<hbm>> -> memref<632x16xf32, #tpu.memory_space<hbm>>
      %dma_wait3A_180 = arith.constant 0 : i32
      %dma_wait3A_181 = arith.constant 0 : i32
      %dma_wait3A_182 = tpu.memref_slice %arg12[%dma_wait3A_180, %dma_wait3A_181] : memref<2000x16xf32, #tpu.memory_space<vmem>> -> memref<632x16xf32, #tpu.memory_space<vmem>>
      %dma_wait3A_183 = arith.constant 0 : i32
      %dma_wait3A_184 = tpu.memref_slice %arg2[%dma_wait3A_173, %mul3A_123, %dma_wait3A_183] : memref<2x10000x16xf32, #tpu.memory_space<hbm>> -> memref<1x632x16xf32, #tpu.memory_space<hbm>>
      %dma_wait3A_185 = tpu.memref_squeeze %dma_wait3A_184 : memref<1x632x16xf32, #tpu.memory_space<hbm>> -> memref<632x16xf32, #tpu.memory_space<hbm>>
      tpu.wait_dma2 semaphore(%arg18 : memref<!tpu.dma_semaphore, #tpu.memory_space<semaphore_mem>>) src(%dma_wait3A_185 : memref<632x16xf32, #tpu.memory_space<hbm>>) dst(%dma_wait3A_182 : memref<632x16xf32, #tpu.memory_space<vmem>>)
      %dma_wait3A_186 = arith.constant 0 : i32
      %dma_wait3A_187 = arith.constant 0 : i32
      %dma_wait3A_188 = tpu.memref_slice %arg13[%dma_wait3A_186, %dma_wait3A_187] : memref<632x16xf32, #tpu.memory_space<vmem>> -> memref<632x16xf32, #tpu.memory_space<vmem>>
      %dma_wait3A_189 = arith.constant 0 : i32
      %dma_wait3A_190 = tpu.memref_slice %arg3[%mul3A_123, %dma_wait3A_189] : memref<10000x16xf32, #tpu.memory_space<hbm>> -> memref<632x16xf32, #tpu.memory_space<hbm>>
      %dma_wait3A_191 = arith.constant 0 : i32
      %dma_wait3A_192 = arith.constant 0 : i32
      %dma_wait3A_193 = tpu.memref_slice %arg13[%dma_wait3A_191, %dma_wait3A_192] : memref<632x16xf32, #tpu.memory_space<vmem>> -> memref<632x16xf32, #tpu.memory_space<vmem>>
      %dma_wait3A_194 = arith.constant 0 : i32
      %dma_wait3A_195 = tpu.memref_slice %arg3[%mul3A_123, %dma_wait3A_194] : memref<10000x16xf32, #tpu.memory_space<hbm>> -> memref<632x16xf32, #tpu.memory_space<hbm>>
      tpu.wait_dma2 semaphore(%arg18 : memref<!tpu.dma_semaphore, #tpu.memory_space<semaphore_mem>>) src(%dma_wait3A_195 : memref<632x16xf32, #tpu.memory_space<hbm>>) dst(%dma_wait3A_193 : memref<632x16xf32, #tpu.memory_space<vmem>>)
      %scan3A = arith.constant 0 : i32
      %scan3A_196 = arith.constant 0 : i32
      %scan3A_197 = arith.constant 632 : i32
      %scan3A_198 = arith.addi %scan3A_196, %scan3A_197 : i32
      %scan3A_199 = arith.constant 1 : i32
      scf.for %scan3A_201 = %scan3A_196 to %scan3A_198 step %scan3A_199  : i32 {
        %get3A = arith.index_cast %scan3A_201 : i32 to index
        %get3A_202 = arith.constant 0 : index
        %get3A_203 = tpu.vector_load %arg11[%get3A, %get3A_202] {strides = array<i32>} : memref<2000x16xf32, #tpu.memory_space<vmem>>, vector<1x16xf32>,
        %get3A_204 = vector.shape_cast %get3A_203 : vector<1x16xf32> to vector<16xf32>
        %get3A_205 = arith.index_cast %scan3A_201 : i32 to index
        %get3A_206 = arith.constant 0 : index
        %get3A_207 = tpu.vector_load %arg12[%get3A_205, %get3A_206] {strides = array<i32>} : memref<2000x16xf32, #tpu.memory_space<vmem>>, vector<1x16xf32>,
        %get3A_208 = vector.shape_cast %get3A_207 : vector<1x16xf32> to vector<16xf32>
        %add3A_209 = arith.addf %get3A_204, %get3A_208 : vector<16xf32>
        %get3A_210 = arith.index_cast %scan3A_201 : i32 to index
        %get3A_211 = arith.constant 0 : index
        %get3A_212 = tpu.vector_load %arg13[%get3A_210, %get3A_211] {strides = array<i32>} : memref<632x16xf32, #tpu.memory_space<vmem>>, vector<1x16xf32>,
        %get3A_213 = vector.shape_cast %get3A_212 : vector<1x16xf32> to vector<16xf32>
        %add3A_214 = arith.addf %add3A_209, %get3A_213 : vector<16xf32>
        %max3A = arith.constant 0.000000e+00 : f32
        %max3A_215 = vector.broadcast %max3A : f32 to vector<16xf32>
        %max3A_216 = arith.maximumf %add3A_214, %max3A_215 : vector<16xf32>
        %swap3A = arith.index_cast %scan3A_201 : i32 to index
        %swap3A_217 = arith.constant 0 : index
        %swap3A_218 = tpu.vector_load %arg11[%swap3A, %swap3A_217] {strides = array<i32>} : memref<2000x16xf32, #tpu.memory_space<vmem>>, vector<1x16xf32>,
        %swap3A_219 = vector.shape_cast %swap3A_218 : vector<1x16xf32> to vector<16xf32>
        %swap3A_220 = vector.shape_cast %max3A_216 : vector<16xf32> to vector<1x16xf32>
        tpu.vector_store %arg11[%swap3A, %swap3A_217], %swap3A_220 {strides = array<i32>} : memref<2000x16xf32, #tpu.memory_space<vmem>>, vector<1x16xf32>,
      }
      %scan3A_200 = arith.constant 632 : i32
      "tpu.region"() ({
        %run_scoped3A = tpu.sem_alloc : memref<!tpu.dma_semaphore, #tpu.memory_space<semaphore_mem>>
        %dma_start3A_201 = arith.constant 0 : i32
        %dma_start3A_202 = arith.constant 0 : i32
        %dma_start3A_203 = tpu.memref_slice %arg11[%dma_start3A_201, %dma_start3A_202] : memref<2000x16xf32, #tpu.memory_space<vmem>> -> memref<632x16xf32, #tpu.memory_space<vmem>>
        %dma_start3A_204 = arith.constant 0 : i32
        %dma_start3A_205 = tpu.memref_slice %arg8[%arg0, %mul3A_123, %dma_start3A_204] : memref<2x10000x16xf32, #tpu.memory_space<hbm>> -> memref<1x632x16xf32, #tpu.memory_space<hbm>>
        %dma_start3A_206 = tpu.memref_squeeze %dma_start3A_205 : memref<1x632x16xf32, #tpu.memory_space<hbm>> -> memref<632x16xf32, #tpu.memory_space<hbm>>
        %dma_start3A_207 = arith.constant 0 : i32
        %dma_start3A_208 = tpu.memref_slice %arg8[%arg0, %mul3A_123, %dma_start3A_207] : memref<2x10000x16xf32, #tpu.memory_space<hbm>> -> memref<1x632x16xf32, #tpu.memory_space<hbm>>
        %dma_start3A_209 = tpu.memref_squeeze %dma_start3A_208 : memref<1x632x16xf32, #tpu.memory_space<hbm>> -> memref<632x16xf32, #tpu.memory_space<hbm>>
        %dma_start3A_210 = arith.constant 0 : i32
        %dma_start3A_211 = arith.constant 0 : i32
        %dma_start3A_212 = tpu.memref_slice %arg11[%dma_start3A_210, %dma_start3A_211] : memref<2000x16xf32, #tpu.memory_space<vmem>> -> memref<632x16xf32, #tpu.memory_space<vmem>>
        tpu.enqueue_dma source(%dma_start3A_212 : memref<632x16xf32, #tpu.memory_space<vmem>>) target(%dma_start3A_209 : memref<632x16xf32, #tpu.memory_space<hbm>>) target_semaphore(%run_scoped3A : memref<!tpu.dma_semaphore, #tpu.memory_space<semaphore_mem>>)
        %dma_wait3A_213 = arith.constant 0 : i32
        %dma_wait3A_214 = arith.constant 0 : i32
        %dma_wait3A_215 = tpu.memref_slice %arg11[%dma_wait3A_213, %dma_wait3A_214] : memref<2000x16xf32, #tpu.memory_space<vmem>> -> memref<632x16xf32, #tpu.memory_space<vmem>>
        %dma_wait3A_216 = arith.constant 0 : i32
        %dma_wait3A_217 = tpu.memref_slice %arg8[%arg0, %mul3A_123, %dma_wait3A_216] : memref<2x10000x16xf32, #tpu.memory_space<hbm>> -> memref<1x632x16xf32, #tpu.memory_space<hbm>>
        %dma_wait3A_218 = tpu.memref_squeeze %dma_wait3A_217 : memref<1x632x16xf32, #tpu.memory_space<hbm>> -> memref<632x16xf32, #tpu.memory_space<hbm>>
        %dma_wait3A_219 = arith.constant 0 : i32
        %dma_wait3A_220 = tpu.memref_slice %arg8[%arg0, %mul3A_123, %dma_wait3A_219] : memref<2x10000x16xf32, #tpu.memory_space<hbm>> -> memref<1x632x16xf32, #tpu.memory_space<hbm>>
        %dma_wait3A_221 = tpu.memref_squeeze %dma_wait3A_220 : memref<1x632x16xf32, #tpu.memory_space<hbm>> -> memref<632x16xf32, #tpu.memory_space<hbm>>
        %dma_wait3A_222 = arith.constant 0 : i32
        %dma_wait3A_223 = arith.constant 0 : i32
        %dma_wait3A_224 = tpu.memref_slice %arg11[%dma_wait3A_222, %dma_wait3A_223] : memref<2000x16xf32, #tpu.memory_space<vmem>> -> memref<632x16xf32, #tpu.memory_space<vmem>>
        tpu.wait_dma2 semaphore(%run_scoped3A : memref<!tpu.dma_semaphore, #tpu.memory_space<semaphore_mem>>) src(%dma_wait3A_224 : memref<632x16xf32, #tpu.memory_space<vmem>>) dst(%dma_wait3A_221 : memref<632x16xf32, #tpu.memory_space<hbm>>)
        tpu.yield
      }) : () -> ()
    } else {
    }
    %eq3A = arith.constant 15 : i32
    %eq3A_12 = arith.cmpi eq, %arg1, %eq3A : i32
    %convert_element_type3A_13 = arith.extui %eq3A_12 : i1 to i32
    %cond3A_14 = arith.constant 0 : i32
    %cond3A_15 = arith.cmpi ne, %convert_element_type3A_13, %cond3A_14 : i32
    scf.if %cond3A_15 {
      %dma_start3A_122 = arith.constant 0 : i32
      %dma_start3A_123 = arith.constant 0 : i32
      %dma_start3A_124 = arith.constant 0 : i32
      %dma_start3A_125 = tpu.memref_slice %arg11[%dma_start3A_123, %dma_start3A_124] : memref<2000x16xf32, #tpu.memory_space<vmem>> -> memref<520x16xf32, #tpu.memory_space<vmem>>
      %dma_start3A_126 = arith.constant 9480 : i32
      %dma_start3A_127 = arith.constant 0 : i32
      %dma_start3A_128 = tpu.memref_slice %arg2[%dma_start3A_122, %dma_start3A_126, %dma_start3A_127] : memref<2x10000x16xf32, #tpu.memory_space<hbm>> -> memref<1x520x16xf32, #tpu.memory_space<hbm>>
      %dma_start3A_129 = tpu.memref_squeeze %dma_start3A_128 : memref<1x520x16xf32, #tpu.memory_space<hbm>> -> memref<520x16xf32, #tpu.memory_space<hbm>>
      %dma_start3A_130 = arith.constant 0 : i32
      %dma_start3A_131 = arith.constant 0 : i32
      %dma_start3A_132 = tpu.memref_slice %arg11[%dma_start3A_130, %dma_start3A_131] : memref<2000x16xf32, #tpu.memory_space<vmem>> -> memref<520x16xf32, #tpu.memory_space<vmem>>
      %dma_start3A_133 = arith.constant 9480 : i32
      %dma_start3A_134 = arith.constant 0 : i32
      %dma_start3A_135 = tpu.memref_slice %arg2[%dma_start3A_122, %dma_start3A_133, %dma_start3A_134] : memref<2x10000x16xf32, #tpu.memory_space<hbm>> -> memref<1x520x16xf32, #tpu.memory_space<hbm>>
      %dma_start3A_136 = tpu.memref_squeeze %dma_start3A_135 : memref<1x520x16xf32, #tpu.memory_space<hbm>> -> memref<520x16xf32, #tpu.memory_space<hbm>>
      tpu.enqueue_dma source(%dma_start3A_136 : memref<520x16xf32, #tpu.memory_space<hbm>>) target(%dma_start3A_132 : memref<520x16xf32, #tpu.memory_space<vmem>>) target_semaphore(%arg18 : memref<!tpu.dma_semaphore, #tpu.memory_space<semaphore_mem>>)
      %dma_start3A_137 = arith.constant 1 : i32
      %dma_start3A_138 = arith.constant 0 : i32
      %dma_start3A_139 = arith.constant 0 : i32
      %dma_start3A_140 = tpu.memref_slice %arg12[%dma_start3A_138, %dma_start3A_139] : memref<2000x16xf32, #tpu.memory_space<vmem>> -> memref<520x16xf32, #tpu.memory_space<vmem>>
      %dma_start3A_141 = arith.constant 9480 : i32
      %dma_start3A_142 = arith.constant 0 : i32
      %dma_start3A_143 = tpu.memref_slice %arg2[%dma_start3A_137, %dma_start3A_141, %dma_start3A_142] : memref<2x10000x16xf32, #tpu.memory_space<hbm>> -> memref<1x520x16xf32, #tpu.memory_space<hbm>>
      %dma_start3A_144 = tpu.memref_squeeze %dma_start3A_143 : memref<1x520x16xf32, #tpu.memory_space<hbm>> -> memref<520x16xf32, #tpu.memory_space<hbm>>
      %dma_start3A_145 = arith.constant 0 : i32
      %dma_start3A_146 = arith.constant 0 : i32
      %dma_start3A_147 = tpu.memref_slice %arg12[%dma_start3A_145, %dma_start3A_146] : memref<2000x16xf32, #tpu.memory_space<vmem>> -> memref<520x16xf32, #tpu.memory_space<vmem>>
      %dma_start3A_148 = arith.constant 9480 : i32
      %dma_start3A_149 = arith.constant 0 : i32
      %dma_start3A_150 = tpu.memref_slice %arg2[%dma_start3A_137, %dma_start3A_148, %dma_start3A_149] : memref<2x10000x16xf32, #tpu.memory_space<hbm>> -> memref<1x520x16xf32, #tpu.memory_space<hbm>>
      %dma_start3A_151 = tpu.memref_squeeze %dma_start3A_150 : memref<1x520x16xf32, #tpu.memory_space<hbm>> -> memref<520x16xf32, #tpu.memory_space<hbm>>
      tpu.enqueue_dma source(%dma_start3A_151 : memref<520x16xf32, #tpu.memory_space<hbm>>) target(%dma_start3A_147 : memref<520x16xf32, #tpu.memory_space<vmem>>) target_semaphore(%arg18 : memref<!tpu.dma_semaphore, #tpu.memory_space<semaphore_mem>>)
      %dma_start3A_152 = arith.constant 0 : i32
      %dma_start3A_153 = arith.constant 0 : i32
      %dma_start3A_154 = tpu.memref_slice %arg13[%dma_start3A_152, %dma_start3A_153] : memref<632x16xf32, #tpu.memory_space<vmem>> -> memref<520x16xf32, #tpu.memory_space<vmem>>
      %dma_start3A_155 = arith.constant 9480 : i32
      %dma_start3A_156 = arith.constant 0 : i32
      %dma_start3A_157 = tpu.memref_slice %arg3[%dma_start3A_155, %dma_start3A_156] : memref<10000x16xf32, #tpu.memory_space<hbm>> -> memref<520x16xf32, #tpu.memory_space<hbm>>
      %dma_start3A_158 = arith.constant 0 : i32
      %dma_start3A_159 = arith.constant 0 : i32
      %dma_start3A_160 = tpu.memref_slice %arg13[%dma_start3A_158, %dma_start3A_159] : memref<632x16xf32, #tpu.memory_space<vmem>> -> memref<520x16xf32, #tpu.memory_space<vmem>>
      %dma_start3A_161 = arith.constant 9480 : i32
      %dma_start3A_162 = arith.constant 0 : i32
      %dma_start3A_163 = tpu.memref_slice %arg3[%dma_start3A_161, %dma_start3A_162] : memref<10000x16xf32, #tpu.memory_space<hbm>> -> memref<520x16xf32, #tpu.memory_space<hbm>>
      tpu.enqueue_dma source(%dma_start3A_163 : memref<520x16xf32, #tpu.memory_space<hbm>>) target(%dma_start3A_160 : memref<520x16xf32, #tpu.memory_space<vmem>>) target_semaphore(%arg18 : memref<!tpu.dma_semaphore, #tpu.memory_space<semaphore_mem>>)
      %dma_wait3A_164 = arith.constant 0 : i32
      %dma_wait3A_165 = arith.constant 0 : i32
      %dma_wait3A_166 = arith.constant 0 : i32
      %dma_wait3A_167 = tpu.memref_slice %arg11[%dma_wait3A_165, %dma_wait3A_166] : memref<2000x16xf32, #tpu.memory_space<vmem>> -> memref<520x16xf32, #tpu.memory_space<vmem>>
      %dma_wait3A_168 = arith.constant 9480 : i32
      %dma_wait3A_169 = arith.constant 0 : i32
      %dma_wait3A_170 = tpu.memref_slice %arg2[%dma_wait3A_164, %dma_wait3A_168, %dma_wait3A_169] : memref<2x10000x16xf32, #tpu.memory_space<hbm>> -> memref<1x520x16xf32, #tpu.memory_space<hbm>>
      %dma_wait3A_171 = tpu.memref_squeeze %dma_wait3A_170 : memref<1x520x16xf32, #tpu.memory_space<hbm>> -> memref<520x16xf32, #tpu.memory_space<hbm>>
      %dma_wait3A_172 = arith.constant 0 : i32
      %dma_wait3A_173 = arith.constant 0 : i32
      %dma_wait3A_174 = tpu.memref_slice %arg11[%dma_wait3A_172, %dma_wait3A_173] : memref<2000x16xf32, #tpu.memory_space<vmem>> -> memref<520x16xf32, #tpu.memory_space<vmem>>
      %dma_wait3A_175 = arith.constant 9480 : i32
      %dma_wait3A_176 = arith.constant 0 : i32
      %dma_wait3A_177 = tpu.memref_slice %arg2[%dma_wait3A_164, %dma_wait3A_175, %dma_wait3A_176] : memref<2x10000x16xf32, #tpu.memory_space<hbm>> -> memref<1x520x16xf32, #tpu.memory_space<hbm>>
      %dma_wait3A_178 = tpu.memref_squeeze %dma_wait3A_177 : memref<1x520x16xf32, #tpu.memory_space<hbm>> -> memref<520x16xf32, #tpu.memory_space<hbm>>
      tpu.wait_dma2 semaphore(%arg18 : memref<!tpu.dma_semaphore, #tpu.memory_space<semaphore_mem>>) src(%dma_wait3A_178 : memref<520x16xf32, #tpu.memory_space<hbm>>) dst(%dma_wait3A_174 : memref<520x16xf32, #tpu.memory_space<vmem>>)
      %dma_wait3A_179 = arith.constant 1 : i32
      %dma_wait3A_180 = arith.constant 0 : i32
      %dma_wait3A_181 = arith.constant 0 : i32
      %dma_wait3A_182 = tpu.memref_slice %arg12[%dma_wait3A_180, %dma_wait3A_181] : memref<2000x16xf32, #tpu.memory_space<vmem>> -> memref<520x16xf32, #tpu.memory_space<vmem>>
      %dma_wait3A_183 = arith.constant 9480 : i32
      %dma_wait3A_184 = arith.constant 0 : i32
      %dma_wait3A_185 = tpu.memref_slice %arg2[%dma_wait3A_179, %dma_wait3A_183, %dma_wait3A_184] : memref<2x10000x16xf32, #tpu.memory_space<hbm>> -> memref<1x520x16xf32, #tpu.memory_space<hbm>>
      %dma_wait3A_186 = tpu.memref_squeeze %dma_wait3A_185 : memref<1x520x16xf32, #tpu.memory_space<hbm>> -> memref<520x16xf32, #tpu.memory_space<hbm>>
      %dma_wait3A_187 = arith.constant 0 : i32
      %dma_wait3A_188 = arith.constant 0 : i32
      %dma_wait3A_189 = tpu.memref_slice %arg12[%dma_wait3A_187, %dma_wait3A_188] : memref<2000x16xf32, #tpu.memory_space<vmem>> -> memref<520x16xf32, #tpu.memory_space<vmem>>
      %dma_wait3A_190 = arith.constant 9480 : i32
      %dma_wait3A_191 = arith.constant 0 : i32
      %dma_wait3A_192 = tpu.memref_slice %arg2[%dma_wait3A_179, %dma_wait3A_190, %dma_wait3A_191] : memref<2x10000x16xf32, #tpu.memory_space<hbm>> -> memref<1x520x16xf32, #tpu.memory_space<hbm>>
      %dma_wait3A_193 = tpu.memref_squeeze %dma_wait3A_192 : memref<1x520x16xf32, #tpu.memory_space<hbm>> -> memref<520x16xf32, #tpu.memory_space<hbm>>
      tpu.wait_dma2 semaphore(%arg18 : memref<!tpu.dma_semaphore, #tpu.memory_space<semaphore_mem>>) src(%dma_wait3A_193 : memref<520x16xf32, #tpu.memory_space<hbm>>) dst(%dma_wait3A_189 : memref<520x16xf32, #tpu.memory_space<vmem>>)
      %dma_wait3A_194 = arith.constant 0 : i32
      %dma_wait3A_195 = arith.constant 0 : i32
      %dma_wait3A_196 = tpu.memref_slice %arg13[%dma_wait3A_194, %dma_wait3A_195] : memref<632x16xf32, #tpu.memory_space<vmem>> -> memref<520x16xf32, #tpu.memory_space<vmem>>
      %dma_wait3A_197 = arith.constant 9480 : i32
      %dma_wait3A_198 = arith.constant 0 : i32
      %dma_wait3A_199 = tpu.memref_slice %arg3[%dma_wait3A_197, %dma_wait3A_198] : memref<10000x16xf32, #tpu.memory_space<hbm>> -> memref<520x16xf32, #tpu.memory_space<hbm>>
      %dma_wait3A_200 = arith.constant 0 : i32
      %dma_wait3A_201 = arith.constant 0 : i32
      %dma_wait3A_202 = tpu.memref_slice %arg13[%dma_wait3A_200, %dma_wait3A_201] : memref<632x16xf32, #tpu.memory_space<vmem>> -> memref<520x16xf32, #tpu.memory_space<vmem>>
      %dma_wait3A_203 = arith.constant 9480 : i32
      %dma_wait3A_204 = arith.constant 0 : i32
      %dma_wait3A_205 = tpu.memref_slice %arg3[%dma_wait3A_203, %dma_wait3A_204] : memref<10000x16xf32, #tpu.memory_space<hbm>> -> memref<520x16xf32, #tpu.memory_space<hbm>>
      tpu.wait_dma2 semaphore(%arg18 : memref<!tpu.dma_semaphore, #tpu.memory_space<semaphore_mem>>) src(%dma_wait3A_205 : memref<520x16xf32, #tpu.memory_space<hbm>>) dst(%dma_wait3A_202 : memref<520x16xf32, #tpu.memory_space<vmem>>)
      %scan3A = arith.constant 0 : i32
      %scan3A_206 = arith.constant 0 : i32
      %scan3A_207 = arith.constant 520 : i32
      %scan3A_208 = arith.addi %scan3A_206, %scan3A_207 : i32
      %scan3A_209 = arith.constant 1 : i32
      scf.for %scan3A_211 = %scan3A_206 to %scan3A_208 step %scan3A_209  : i32 {
        %get3A = arith.index_cast %scan3A_211 : i32 to index
        %get3A_212 = arith.constant 0 : index
        %get3A_213 = tpu.vector_load %arg11[%get3A, %get3A_212] {strides = array<i32>} : memref<2000x16xf32, #tpu.memory_space<vmem>>, vector<1x16xf32>,
        %get3A_214 = vector.shape_cast %get3A_213 : vector<1x16xf32> to vector<16xf32>
        %get3A_215 = arith.index_cast %scan3A_211 : i32 to index
        %get3A_216 = arith.constant 0 : index
        %get3A_217 = tpu.vector_load %arg12[%get3A_215, %get3A_216] {strides = array<i32>} : memref<2000x16xf32, #tpu.memory_space<vmem>>, vector<1x16xf32>,
        %get3A_218 = vector.shape_cast %get3A_217 : vector<1x16xf32> to vector<16xf32>
        %add3A_219 = arith.addf %get3A_214, %get3A_218 : vector<16xf32>
        %get3A_220 = arith.index_cast %scan3A_211 : i32 to index
        %get3A_221 = arith.constant 0 : index
        %get3A_222 = tpu.vector_load %arg13[%get3A_220, %get3A_221] {strides = array<i32>} : memref<632x16xf32, #tpu.memory_space<vmem>>, vector<1x16xf32>,
        %get3A_223 = vector.shape_cast %get3A_222 : vector<1x16xf32> to vector<16xf32>
        %add3A_224 = arith.addf %add3A_219, %get3A_223 : vector<16xf32>
        %max3A = arith.constant 0.000000e+00 : f32
        %max3A_225 = vector.broadcast %max3A : f32 to vector<16xf32>
        %max3A_226 = arith.maximumf %add3A_224, %max3A_225 : vector<16xf32>
        %swap3A = arith.index_cast %scan3A_211 : i32 to index
        %swap3A_227 = arith.constant 0 : index
        %swap3A_228 = tpu.vector_load %arg11[%swap3A, %swap3A_227] {strides = array<i32>} : memref<2000x16xf32, #tpu.memory_space<vmem>>, vector<1x16xf32>,
        %swap3A_229 = vector.shape_cast %swap3A_228 : vector<1x16xf32> to vector<16xf32>
        %swap3A_230 = vector.shape_cast %max3A_226 : vector<16xf32> to vector<1x16xf32>
        tpu.vector_store %arg11[%swap3A, %swap3A_227], %swap3A_230 {strides = array<i32>} : memref<2000x16xf32, #tpu.memory_space<vmem>>, vector<1x16xf32>,
      }
      %scan3A_210 = arith.constant 520 : i32
      "tpu.region"() ({
        %run_scoped3A = tpu.sem_alloc : memref<!tpu.dma_semaphore, #tpu.memory_space<semaphore_mem>>
        %dma_start3A_211 = arith.constant 0 : i32
        %dma_start3A_212 = arith.constant 0 : i32
        %dma_start3A_213 = tpu.memref_slice %arg11[%dma_start3A_211, %dma_start3A_212] : memref<2000x16xf32, #tpu.memory_space<vmem>> -> memref<520x16xf32, #tpu.memory_space<vmem>>
        %dma_start3A_214 = arith.constant 9480 : i32
        %dma_start3A_215 = arith.constant 0 : i32
        %dma_start3A_216 = tpu.memref_slice %arg8[%arg0, %dma_start3A_214, %dma_start3A_215] : memref<2x10000x16xf32, #tpu.memory_space<hbm>> -> memref<1x520x16xf32, #tpu.memory_space<hbm>>
        %dma_start3A_217 = tpu.memref_squeeze %dma_start3A_216 : memref<1x520x16xf32, #tpu.memory_space<hbm>> -> memref<520x16xf32, #tpu.memory_space<hbm>>
        %dma_start3A_218 = arith.constant 9480 : i32
        %dma_start3A_219 = arith.constant 0 : i32
        %dma_start3A_220 = tpu.memref_slice %arg8[%arg0, %dma_start3A_218, %dma_start3A_219] : memref<2x10000x16xf32, #tpu.memory_space<hbm>> -> memref<1x520x16xf32, #tpu.memory_space<hbm>>
        %dma_start3A_221 = tpu.memref_squeeze %dma_start3A_220 : memref<1x520x16xf32, #tpu.memory_space<hbm>> -> memref<520x16xf32, #tpu.memory_space<hbm>>
        %dma_start3A_222 = arith.constant 0 : i32
        %dma_start3A_223 = arith.constant 0 : i32
        %dma_start3A_224 = tpu.memref_slice %arg11[%dma_start3A_222, %dma_start3A_223] : memref<2000x16xf32, #tpu.memory_space<vmem>> -> memref<520x16xf32, #tpu.memory_space<vmem>>
        tpu.enqueue_dma source(%dma_start3A_224 : memref<520x16xf32, #tpu.memory_space<vmem>>) target(%dma_start3A_221 : memref<520x16xf32, #tpu.memory_space<hbm>>) target_semaphore(%run_scoped3A : memref<!tpu.dma_semaphore, #tpu.memory_space<semaphore_mem>>)
        %dma_wait3A_225 = arith.constant 0 : i32
        %dma_wait3A_226 = arith.constant 0 : i32
        %dma_wait3A_227 = tpu.memref_slice %arg11[%dma_wait3A_225, %dma_wait3A_226] : memref<2000x16xf32, #tpu.memory_space<vmem>> -> memref<520x16xf32, #tpu.memory_space<vmem>>
        %dma_wait3A_228 = arith.constant 9480 : i32
        %dma_wait3A_229 = arith.constant 0 : i32
        %dma_wait3A_230 = tpu.memref_slice %arg8[%arg0, %dma_wait3A_228, %dma_wait3A_229] : memref<2x10000x16xf32, #tpu.memory_space<hbm>> -> memref<1x520x16xf32, #tpu.memory_space<hbm>>
        %dma_wait3A_231 = tpu.memref_squeeze %dma_wait3A_230 : memref<1x520x16xf32, #tpu.memory_space<hbm>> -> memref<520x16xf32, #tpu.memory_space<hbm>>
        %dma_wait3A_232 = arith.constant 9480 : i32
        %dma_wait3A_233 = arith.constant 0 : i32
        %dma_wait3A_234 = tpu.memref_slice %arg8[%arg0, %dma_wait3A_232, %dma_wait3A_233] : memref<2x10000x16xf32, #tpu.memory_space<hbm>> -> memref<1x520x16xf32, #tpu.memory_space<hbm>>
        %dma_wait3A_235 = tpu.memref_squeeze %dma_wait3A_234 : memref<1x520x16xf32, #tpu.memory_space<hbm>> -> memref<520x16xf32, #tpu.memory_space<hbm>>
        %dma_wait3A_236 = arith.constant 0 : i32
        %dma_wait3A_237 = arith.constant 0 : i32
        %dma_wait3A_238 = tpu.memref_slice %arg11[%dma_wait3A_236, %dma_wait3A_237] : memref<2000x16xf32, #tpu.memory_space<vmem>> -> memref<520x16xf32, #tpu.memory_space<vmem>>
        tpu.wait_dma2 semaphore(%run_scoped3A : memref<!tpu.dma_semaphore, #tpu.memory_space<semaphore_mem>>) src(%dma_wait3A_238 : memref<520x16xf32, #tpu.memory_space<vmem>>) dst(%dma_wait3A_235 : memref<520x16xf32, #tpu.memory_space<hbm>>)
        tpu.yield
      }) : () -> ()
    } else {
    }
    %dma_wait3A = tpu.memref_slice %arg4[%mul3A_2] : memref<320000xi32, #tpu.memory_space<hbm>> -> memref<10000xi32, #tpu.memory_space<hbm>>
    %dma_wait3A_16 = tpu.memref_slice %arg4[%mul3A_2] : memref<320000xi32, #tpu.memory_space<hbm>> -> memref<10000xi32, #tpu.memory_space<hbm>>
    tpu.wait_dma2 semaphore(%arg17 : memref<!tpu.dma_semaphore, #tpu.memory_space<semaphore_mem>>) src(%dma_wait3A_16 : memref<10000xi32, #tpu.memory_space<hbm>>) dst(%arg9 : memref<10000xi32, #tpu.memory_space<vmem>>)
    %dma_wait3A_17 = arith.constant 0 : i32
    %dma_wait3A_18 = tpu.memref_slice %arg14[%mul3A_7, %dma_wait3A_17] : memref<10112x16xf32, #tpu.memory_space<vmem_shared>> -> memref<632x16xf32, #tpu.memory_space<vmem_shared>>
    tpu.wait_dma2 semaphore(%arg15 : memref<!tpu.dma_semaphore, #tpu.memory_space<semaphore_mem>>) src(%arg6 : memref<632x16xf32, #tpu.memory_space<hbm>>) dst(%dma_wait3A_18 : memref<632x16xf32, #tpu.memory_space<vmem_shared>>)
    %dma_wait3A_19 = tpu.memref_slice %arg5[%mul3A_2] : memref<320000xi32, #tpu.memory_space<hbm>> -> memref<10000xi32, #tpu.memory_space<hbm>>
    %dma_wait3A_20 = tpu.memref_slice %arg5[%mul3A_2] : memref<320000xi32, #tpu.memory_space<hbm>> -> memref<10000xi32, #tpu.memory_space<hbm>>
    tpu.wait_dma2 semaphore(%arg16 : memref<!tpu.dma_semaphore, #tpu.memory_space<semaphore_mem>>) src(%dma_wait3A_20 : memref<10000xi32, #tpu.memory_space<hbm>>) dst(%arg10 : memref<10000xi32, #tpu.memory_space<vmem>>)
    %barrier3A = arith.constant 0 : index
    tpu.barrier barrier_id(%barrier3A)
    %dma_start3A_21 = arith.constant 0 : i32
    %dma_start3A_22 = tpu.memref_slice %arg9[%dma_start3A_21] : memref<10000xi32, #tpu.memory_space<vmem>> -> memref<2000xi32, #tpu.memory_space<vmem>>
    %dma_start3A_23 = arith.constant 0 : i32
    %dma_start3A_24 = arith.constant 0 : i32
    %dma_start3A_25 = tpu.memref_slice %arg8[%arg0, %dma_start3A_23, %dma_start3A_24] : memref<2x10000x16xf32, #tpu.memory_space<hbm>> -> memref<1x10000x16xf32, #tpu.memory_space<hbm>>
    %dma_start3A_26 = tpu.memref_squeeze %dma_start3A_25 : memref<1x10000x16xf32, #tpu.memory_space<hbm>> -> memref<10000x16xf32, #tpu.memory_space<hbm>>
    %dma_start3A_27 = arith.constant 0 : i32
    %dma_start3A_28 = arith.constant 0 : i32
    %dma_start3A_29 = tpu.memref_slice %dma_start3A_26[%dma_start3A_27, %dma_start3A_28] : memref<10000x16xf32, #tpu.memory_space<hbm>> -> memref<10000x16xf32, #tpu.memory_space<hbm>>
    tpu.enqueue_indirect_dma source(%dma_start3A_29 : memref<10000x16xf32, #tpu.memory_space<hbm>>) target(%arg11 : memref<2000x16xf32, #tpu.memory_space<vmem>>) offsets(%dma_start3A_22 : memref<2000xi32, #tpu.memory_space<vmem>>) semaphore(%arg15 : memref<!tpu.dma_semaphore, #tpu.memory_space<semaphore_mem>>)
    %dma_wait3A_30 = arith.constant 0 : i32
    %dma_wait3A_31 = tpu.memref_slice %arg9[%dma_wait3A_30] : memref<10000xi32, #tpu.memory_space<vmem>> -> memref<2000xi32, #tpu.memory_space<vmem>>
    %dma_wait3A_32 = arith.constant 0 : i32
    %dma_wait3A_33 = arith.constant 0 : i32
    %dma_wait3A_34 = tpu.memref_slice %arg8[%arg0, %dma_wait3A_32, %dma_wait3A_33] : memref<2x10000x16xf32, #tpu.memory_space<hbm>> -> memref<1x10000x16xf32, #tpu.memory_space<hbm>>
    %dma_wait3A_35 = tpu.memref_squeeze %dma_wait3A_34 : memref<1x10000x16xf32, #tpu.memory_space<hbm>> -> memref<10000x16xf32, #tpu.memory_space<hbm>>
    %dma_wait3A_36 = arith.constant 0 : i32
    %dma_wait3A_37 = arith.constant 0 : i32
    %dma_wait3A_38 = tpu.memref_slice %dma_wait3A_35[%dma_wait3A_36, %dma_wait3A_37] : memref<10000x16xf32, #tpu.memory_space<hbm>> -> memref<10000x16xf32, #tpu.memory_space<hbm>>
    tpu.wait_indirect_dma semaphore(%arg15 : memref<!tpu.dma_semaphore, #tpu.memory_space<semaphore_mem>>) src(%dma_wait3A_38 : memref<10000x16xf32, #tpu.memory_space<hbm>>) dst(%arg11 : memref<2000x16xf32, #tpu.memory_space<vmem>>)
    %dma_start3A_39 = arith.constant 2000 : i32
    %dma_start3A_40 = tpu.memref_slice %arg9[%dma_start3A_39] : memref<10000xi32, #tpu.memory_space<vmem>> -> memref<2000xi32, #tpu.memory_space<vmem>>
    %dma_start3A_41 = arith.constant 0 : i32
    %dma_start3A_42 = arith.constant 0 : i32
    %dma_start3A_43 = tpu.memref_slice %arg8[%arg0, %dma_start3A_41, %dma_start3A_42] : memref<2x10000x16xf32, #tpu.memory_space<hbm>> -> memref<1x10000x16xf32, #tpu.memory_space<hbm>>
    %dma_start3A_44 = tpu.memref_squeeze %dma_start3A_43 : memref<1x10000x16xf32, #tpu.memory_space<hbm>> -> memref<10000x16xf32, #tpu.memory_space<hbm>>
    %dma_start3A_45 = arith.constant 0 : i32
    %dma_start3A_46 = arith.constant 0 : i32
    %dma_start3A_47 = tpu.memref_slice %dma_start3A_44[%dma_start3A_45, %dma_start3A_46] : memref<10000x16xf32, #tpu.memory_space<hbm>> -> memref<10000x16xf32, #tpu.memory_space<hbm>>
    tpu.enqueue_indirect_dma source(%dma_start3A_47 : memref<10000x16xf32, #tpu.memory_space<hbm>>) target(%arg12 : memref<2000x16xf32, #tpu.memory_space<vmem>>) offsets(%dma_start3A_40 : memref<2000xi32, #tpu.memory_space<vmem>>) semaphore(%arg16 : memref<!tpu.dma_semaphore, #tpu.memory_space<semaphore_mem>>)
    "tpu.region"() ({
      %run_scoped3A = tpu.sem_alloc : memref<!tpu.dma_semaphore, #tpu.memory_space<semaphore_mem>>
      %dma_start3A_122 = arith.constant 0 : i32
      %dma_start3A_123 = tpu.memref_slice %arg10[%dma_start3A_122] : memref<10000xi32, #tpu.memory_space<vmem>> -> memref<2000xi32, #tpu.memory_space<vmem>>
      %dma_start3A_124 = arith.constant 0 : i32
      %dma_start3A_125 = arith.constant 0 : i32
      %dma_start3A_126 = tpu.memref_slice %arg14[%dma_start3A_124, %dma_start3A_125] : memref<10112x16xf32, #tpu.memory_space<vmem_shared>> -> memref<10112x16xf32, #tpu.memory_space<vmem_shared>>
      tpu.enqueue_indirect_dma source(%arg11 : memref<2000x16xf32, #tpu.memory_space<vmem>>) target(%dma_start3A_126 : memref<10112x16xf32, #tpu.memory_space<vmem_shared>>) offsets(%dma_start3A_123 : memref<2000xi32, #tpu.memory_space<vmem>>) semaphore(%run_scoped3A : memref<!tpu.dma_semaphore, #tpu.memory_space<semaphore_mem>>) {add = true}
      %dma_wait3A_127 = arith.constant 0 : i32
      %dma_wait3A_128 = tpu.memref_slice %arg10[%dma_wait3A_127] : memref<10000xi32, #tpu.memory_space<vmem>> -> memref<2000xi32, #tpu.memory_space<vmem>>
      %dma_wait3A_129 = arith.constant 0 : i32
      %dma_wait3A_130 = arith.constant 0 : i32
      %dma_wait3A_131 = tpu.memref_slice %arg14[%dma_wait3A_129, %dma_wait3A_130] : memref<10112x16xf32, #tpu.memory_space<vmem_shared>> -> memref<10112x16xf32, #tpu.memory_space<vmem_shared>>
      tpu.wait_indirect_dma semaphore(%run_scoped3A : memref<!tpu.dma_semaphore, #tpu.memory_space<semaphore_mem>>) src(%arg11 : memref<2000x16xf32, #tpu.memory_space<vmem>>) dst(%dma_wait3A_131 : memref<10112x16xf32, #tpu.memory_space<vmem_shared>>)
      tpu.yield
    }) : () -> ()
    %dma_wait3A_48 = arith.constant 2000 : i32
    %dma_wait3A_49 = tpu.memref_slice %arg9[%dma_wait3A_48] : memref<10000xi32, #tpu.memory_space<vmem>> -> memref<2000xi32, #tpu.memory_space<vmem>>
    %dma_wait3A_50 = arith.constant 0 : i32
    %dma_wait3A_51 = arith.constant 0 : i32
    %dma_wait3A_52 = tpu.memref_slice %arg8[%arg0, %dma_wait3A_50, %dma_wait3A_51] : memref<2x10000x16xf32, #tpu.memory_space<hbm>> -> memref<1x10000x16xf32, #tpu.memory_space<hbm>>
    %dma_wait3A_53 = tpu.memref_squeeze %dma_wait3A_52 : memref<1x10000x16xf32, #tpu.memory_space<hbm>> -> memref<10000x16xf32, #tpu.memory_space<hbm>>
    %dma_wait3A_54 = arith.constant 0 : i32
    %dma_wait3A_55 = arith.constant 0 : i32
    %dma_wait3A_56 = tpu.memref_slice %dma_wait3A_53[%dma_wait3A_54, %dma_wait3A_55] : memref<10000x16xf32, #tpu.memory_space<hbm>> -> memref<10000x16xf32, #tpu.memory_space<hbm>>
    tpu.wait_indirect_dma semaphore(%arg16 : memref<!tpu.dma_semaphore, #tpu.memory_space<semaphore_mem>>) src(%dma_wait3A_56 : memref<10000x16xf32, #tpu.memory_space<hbm>>) dst(%arg12 : memref<2000x16xf32, #tpu.memory_space<vmem>>)
    %dma_start3A_57 = arith.constant 4000 : i32
    %dma_start3A_58 = tpu.memref_slice %arg9[%dma_start3A_57] : memref<10000xi32, #tpu.memory_space<vmem>> -> memref<2000xi32, #tpu.memory_space<vmem>>
    %dma_start3A_59 = arith.constant 0 : i32
    %dma_start3A_60 = arith.constant 0 : i32
    %dma_start3A_61 = tpu.memref_slice %arg8[%arg0, %dma_start3A_59, %dma_start3A_60] : memref<2x10000x16xf32, #tpu.memory_space<hbm>> -> memref<1x10000x16xf32, #tpu.memory_space<hbm>>
    %dma_start3A_62 = tpu.memref_squeeze %dma_start3A_61 : memref<1x10000x16xf32, #tpu.memory_space<hbm>> -> memref<10000x16xf32, #tpu.memory_space<hbm>>
    %dma_start3A_63 = arith.constant 0 : i32
    %dma_start3A_64 = arith.constant 0 : i32
    %dma_start3A_65 = tpu.memref_slice %dma_start3A_62[%dma_start3A_63, %dma_start3A_64] : memref<10000x16xf32, #tpu.memory_space<hbm>> -> memref<10000x16xf32, #tpu.memory_space<hbm>>
    tpu.enqueue_indirect_dma source(%dma_start3A_65 : memref<10000x16xf32, #tpu.memory_space<hbm>>) target(%arg11 : memref<2000x16xf32, #tpu.memory_space<vmem>>) offsets(%dma_start3A_58 : memref<2000xi32, #tpu.memory_space<vmem>>) semaphore(%arg15 : memref<!tpu.dma_semaphore, #tpu.memory_space<semaphore_mem>>)
    "tpu.region"() ({
      %run_scoped3A = tpu.sem_alloc : memref<!tpu.dma_semaphore, #tpu.memory_space<semaphore_mem>>
      %dma_start3A_122 = arith.constant 2000 : i32
      %dma_start3A_123 = tpu.memref_slice %arg10[%dma_start3A_122] : memref<10000xi32, #tpu.memory_space<vmem>> -> memref<2000xi32, #tpu.memory_space<vmem>>
      %dma_start3A_124 = arith.constant 0 : i32
      %dma_start3A_125 = arith.constant 0 : i32
      %dma_start3A_126 = tpu.memref_slice %arg14[%dma_start3A_124, %dma_start3A_125] : memref<10112x16xf32, #tpu.memory_space<vmem_shared>> -> memref<10112x16xf32, #tpu.memory_space<vmem_shared>>
      tpu.enqueue_indirect_dma source(%arg12 : memref<2000x16xf32, #tpu.memory_space<vmem>>) target(%dma_start3A_126 : memref<10112x16xf32, #tpu.memory_space<vmem_shared>>) offsets(%dma_start3A_123 : memref<2000xi32, #tpu.memory_space<vmem>>) semaphore(%run_scoped3A : memref<!tpu.dma_semaphore, #tpu.memory_space<semaphore_mem>>) {add = true}
      %dma_wait3A_127 = arith.constant 2000 : i32
      %dma_wait3A_128 = tpu.memref_slice %arg10[%dma_wait3A_127] : memref<10000xi32, #tpu.memory_space<vmem>> -> memref<2000xi32, #tpu.memory_space<vmem>>
      %dma_wait3A_129 = arith.constant 0 : i32
      %dma_wait3A_130 = arith.constant 0 : i32
      %dma_wait3A_131 = tpu.memref_slice %arg14[%dma_wait3A_129, %dma_wait3A_130] : memref<10112x16xf32, #tpu.memory_space<vmem_shared>> -> memref<10112x16xf32, #tpu.memory_space<vmem_shared>>
      tpu.wait_indirect_dma semaphore(%run_scoped3A : memref<!tpu.dma_semaphore, #tpu.memory_space<semaphore_mem>>) src(%arg12 : memref<2000x16xf32, #tpu.memory_space<vmem>>) dst(%dma_wait3A_131 : memref<10112x16xf32, #tpu.memory_space<vmem_shared>>)
      tpu.yield
    }) : () -> ()
    %dma_wait3A_66 = arith.constant 4000 : i32
    %dma_wait3A_67 = tpu.memref_slice %arg9[%dma_wait3A_66] : memref<10000xi32, #tpu.memory_space<vmem>> -> memref<2000xi32, #tpu.memory_space<vmem>>
    %dma_wait3A_68 = arith.constant 0 : i32
    %dma_wait3A_69 = arith.constant 0 : i32
    %dma_wait3A_70 = tpu.memref_slice %arg8[%arg0, %dma_wait3A_68, %dma_wait3A_69] : memref<2x10000x16xf32, #tpu.memory_space<hbm>> -> memref<1x10000x16xf32, #tpu.memory_space<hbm>>
    %dma_wait3A_71 = tpu.memref_squeeze %dma_wait3A_70 : memref<1x10000x16xf32, #tpu.memory_space<hbm>> -> memref<10000x16xf32, #tpu.memory_space<hbm>>
    %dma_wait3A_72 = arith.constant 0 : i32
    %dma_wait3A_73 = arith.constant 0 : i32
    %dma_wait3A_74 = tpu.memref_slice %dma_wait3A_71[%dma_wait3A_72, %dma_wait3A_73] : memref<10000x16xf32, #tpu.memory_space<hbm>> -> memref<10000x16xf32, #tpu.memory_space<hbm>>
    tpu.wait_indirect_dma semaphore(%arg15 : memref<!tpu.dma_semaphore, #tpu.memory_space<semaphore_mem>>) src(%dma_wait3A_74 : memref<10000x16xf32, #tpu.memory_space<hbm>>) dst(%arg11 : memref<2000x16xf32, #tpu.memory_space<vmem>>)
    %dma_start3A_75 = arith.constant 6000 : i32
    %dma_start3A_76 = tpu.memref_slice %arg9[%dma_start3A_75] : memref<10000xi32, #tpu.memory_space<vmem>> -> memref<2000xi32, #tpu.memory_space<vmem>>
    %dma_start3A_77 = arith.constant 0 : i32
    %dma_start3A_78 = arith.constant 0 : i32
    %dma_start3A_79 = tpu.memref_slice %arg8[%arg0, %dma_start3A_77, %dma_start3A_78] : memref<2x10000x16xf32, #tpu.memory_space<hbm>> -> memref<1x10000x16xf32, #tpu.memory_space<hbm>>
    %dma_start3A_80 = tpu.memref_squeeze %dma_start3A_79 : memref<1x10000x16xf32, #tpu.memory_space<hbm>> -> memref<10000x16xf32, #tpu.memory_space<hbm>>
    %dma_start3A_81 = arith.constant 0 : i32
    %dma_start3A_82 = arith.constant 0 : i32
    %dma_start3A_83 = tpu.memref_slice %dma_start3A_80[%dma_start3A_81, %dma_start3A_82] : memref<10000x16xf32, #tpu.memory_space<hbm>> -> memref<10000x16xf32, #tpu.memory_space<hbm>>
    tpu.enqueue_indirect_dma source(%dma_start3A_83 : memref<10000x16xf32, #tpu.memory_space<hbm>>) target(%arg12 : memref<2000x16xf32, #tpu.memory_space<vmem>>) offsets(%dma_start3A_76 : memref<2000xi32, #tpu.memory_space<vmem>>) semaphore(%arg16 : memref<!tpu.dma_semaphore, #tpu.memory_space<semaphore_mem>>)
    "tpu.region"() ({
      %run_scoped3A = tpu.sem_alloc : memref<!tpu.dma_semaphore, #tpu.memory_space<semaphore_mem>>
      %dma_start3A_122 = arith.constant 4000 : i32
      %dma_start3A_123 = tpu.memref_slice %arg10[%dma_start3A_122] : memref<10000xi32, #tpu.memory_space<vmem>> -> memref<2000xi32, #tpu.memory_space<vmem>>
      %dma_start3A_124 = arith.constant 0 : i32
      %dma_start3A_125 = arith.constant 0 : i32
      %dma_start3A_126 = tpu.memref_slice %arg14[%dma_start3A_124, %dma_start3A_125] : memref<10112x16xf32, #tpu.memory_space<vmem_shared>> -> memref<10112x16xf32, #tpu.memory_space<vmem_shared>>
      tpu.enqueue_indirect_dma source(%arg11 : memref<2000x16xf32, #tpu.memory_space<vmem>>) target(%dma_start3A_126 : memref<10112x16xf32, #tpu.memory_space<vmem_shared>>) offsets(%dma_start3A_123 : memref<2000xi32, #tpu.memory_space<vmem>>) semaphore(%run_scoped3A : memref<!tpu.dma_semaphore, #tpu.memory_space<semaphore_mem>>) {add = true}
      %dma_wait3A_127 = arith.constant 4000 : i32
      %dma_wait3A_128 = tpu.memref_slice %arg10[%dma_wait3A_127] : memref<10000xi32, #tpu.memory_space<vmem>> -> memref<2000xi32, #tpu.memory_space<vmem>>
      %dma_wait3A_129 = arith.constant 0 : i32
      %dma_wait3A_130 = arith.constant 0 : i32
      %dma_wait3A_131 = tpu.memref_slice %arg14[%dma_wait3A_129, %dma_wait3A_130] : memref<10112x16xf32, #tpu.memory_space<vmem_shared>> -> memref<10112x16xf32, #tpu.memory_space<vmem_shared>>
      tpu.wait_indirect_dma semaphore(%run_scoped3A : memref<!tpu.dma_semaphore, #tpu.memory_space<semaphore_mem>>) src(%arg11 : memref<2000x16xf32, #tpu.memory_space<vmem>>) dst(%dma_wait3A_131 : memref<10112x16xf32, #tpu.memory_space<vmem_shared>>)
      tpu.yield
    }) : () -> ()
    %dma_wait3A_84 = arith.constant 6000 : i32
    %dma_wait3A_85 = tpu.memref_slice %arg9[%dma_wait3A_84] : memref<10000xi32, #tpu.memory_space<vmem>> -> memref<2000xi32, #tpu.memory_space<vmem>>
    %dma_wait3A_86 = arith.constant 0 : i32
    %dma_wait3A_87 = arith.constant 0 : i32
    %dma_wait3A_88 = tpu.memref_slice %arg8[%arg0, %dma_wait3A_86, %dma_wait3A_87] : memref<2x10000x16xf32, #tpu.memory_space<hbm>> -> memref<1x10000x16xf32, #tpu.memory_space<hbm>>
    %dma_wait3A_89 = tpu.memref_squeeze %dma_wait3A_88 : memref<1x10000x16xf32, #tpu.memory_space<hbm>> -> memref<10000x16xf32, #tpu.memory_space<hbm>>
    %dma_wait3A_90 = arith.constant 0 : i32
    %dma_wait3A_91 = arith.constant 0 : i32
    %dma_wait3A_92 = tpu.memref_slice %dma_wait3A_89[%dma_wait3A_90, %dma_wait3A_91] : memref<10000x16xf32, #tpu.memory_space<hbm>> -> memref<10000x16xf32, #tpu.memory_space<hbm>>
    tpu.wait_indirect_dma semaphore(%arg16 : memref<!tpu.dma_semaphore, #tpu.memory_space<semaphore_mem>>) src(%dma_wait3A_92 : memref<10000x16xf32, #tpu.memory_space<hbm>>) dst(%arg12 : memref<2000x16xf32, #tpu.memory_space<vmem>>)
    %dma_start3A_93 = arith.constant 8000 : i32
    %dma_start3A_94 = tpu.memref_slice %arg9[%dma_start3A_93] : memref<10000xi32, #tpu.memory_space<vmem>> -> memref<2000xi32, #tpu.memory_space<vmem>>
    %dma_start3A_95 = arith.constant 0 : i32
    %dma_start3A_96 = arith.constant 0 : i32
    %dma_start3A_97 = tpu.memref_slice %arg8[%arg0, %dma_start3A_95, %dma_start3A_96] : memref<2x10000x16xf32, #tpu.memory_space<hbm>> -> memref<1x10000x16xf32, #tpu.memory_space<hbm>>
    %dma_start3A_98 = tpu.memref_squeeze %dma_start3A_97 : memref<1x10000x16xf32, #tpu.memory_space<hbm>> -> memref<10000x16xf32, #tpu.memory_space<hbm>>
    %dma_start3A_99 = arith.constant 0 : i32
    %dma_start3A_100 = arith.constant 0 : i32
    %dma_start3A_101 = tpu.memref_slice %dma_start3A_98[%dma_start3A_99, %dma_start3A_100] : memref<10000x16xf32, #tpu.memory_space<hbm>> -> memref<10000x16xf32, #tpu.memory_space<hbm>>
    tpu.enqueue_indirect_dma source(%dma_start3A_101 : memref<10000x16xf32, #tpu.memory_space<hbm>>) target(%arg11 : memref<2000x16xf32, #tpu.memory_space<vmem>>) offsets(%dma_start3A_94 : memref<2000xi32, #tpu.memory_space<vmem>>) semaphore(%arg15 : memref<!tpu.dma_semaphore, #tpu.memory_space<semaphore_mem>>)
    "tpu.region"() ({
      %run_scoped3A = tpu.sem_alloc : memref<!tpu.dma_semaphore, #tpu.memory_space<semaphore_mem>>
      %dma_start3A_122 = arith.constant 6000 : i32
      %dma_start3A_123 = tpu.memref_slice %arg10[%dma_start3A_122] : memref<10000xi32, #tpu.memory_space<vmem>> -> memref<2000xi32, #tpu.memory_space<vmem>>
      %dma_start3A_124 = arith.constant 0 : i32
      %dma_start3A_125 = arith.constant 0 : i32
      %dma_start3A_126 = tpu.memref_slice %arg14[%dma_start3A_124, %dma_start3A_125] : memref<10112x16xf32, #tpu.memory_space<vmem_shared>> -> memref<10112x16xf32, #tpu.memory_space<vmem_shared>>
      tpu.enqueue_indirect_dma source(%arg12 : memref<2000x16xf32, #tpu.memory_space<vmem>>) target(%dma_start3A_126 : memref<10112x16xf32, #tpu.memory_space<vmem_shared>>) offsets(%dma_start3A_123 : memref<2000xi32, #tpu.memory_space<vmem>>) semaphore(%run_scoped3A : memref<!tpu.dma_semaphore, #tpu.memory_space<semaphore_mem>>) {add = true}
      %dma_wait3A_127 = arith.constant 6000 : i32
      %dma_wait3A_128 = tpu.memref_slice %arg10[%dma_wait3A_127] : memref<10000xi32, #tpu.memory_space<vmem>> -> memref<2000xi32, #tpu.memory_space<vmem>>
      %dma_wait3A_129 = arith.constant 0 : i32
      %dma_wait3A_130 = arith.constant 0 : i32
      %dma_wait3A_131 = tpu.memref_slice %arg14[%dma_wait3A_129, %dma_wait3A_130] : memref<10112x16xf32, #tpu.memory_space<vmem_shared>> -> memref<10112x16xf32, #tpu.memory_space<vmem_shared>>
      tpu.wait_indirect_dma semaphore(%run_scoped3A : memref<!tpu.dma_semaphore, #tpu.memory_space<semaphore_mem>>) src(%arg12 : memref<2000x16xf32, #tpu.memory_space<vmem>>) dst(%dma_wait3A_131 : memref<10112x16xf32, #tpu.memory_space<vmem_shared>>)
      tpu.yield
    }) : () -> ()
    %dma_wait3A_102 = arith.constant 8000 : i32
    %dma_wait3A_103 = tpu.memref_slice %arg9[%dma_wait3A_102] : memref<10000xi32, #tpu.memory_space<vmem>> -> memref<2000xi32, #tpu.memory_space<vmem>>
    %dma_wait3A_104 = arith.constant 0 : i32
    %dma_wait3A_105 = arith.constant 0 : i32
    %dma_wait3A_106 = tpu.memref_slice %arg8[%arg0, %dma_wait3A_104, %dma_wait3A_105] : memref<2x10000x16xf32, #tpu.memory_space<hbm>> -> memref<1x10000x16xf32, #tpu.memory_space<hbm>>
    %dma_wait3A_107 = tpu.memref_squeeze %dma_wait3A_106 : memref<1x10000x16xf32, #tpu.memory_space<hbm>> -> memref<10000x16xf32, #tpu.memory_space<hbm>>
    %dma_wait3A_108 = arith.constant 0 : i32
    %dma_wait3A_109 = arith.constant 0 : i32
    %dma_wait3A_110 = tpu.memref_slice %dma_wait3A_107[%dma_wait3A_108, %dma_wait3A_109] : memref<10000x16xf32, #tpu.memory_space<hbm>> -> memref<10000x16xf32, #tpu.memory_space<hbm>>
    tpu.wait_indirect_dma semaphore(%arg15 : memref<!tpu.dma_semaphore, #tpu.memory_space<semaphore_mem>>) src(%dma_wait3A_110 : memref<10000x16xf32, #tpu.memory_space<hbm>>) dst(%arg11 : memref<2000x16xf32, #tpu.memory_space<vmem>>)
    "tpu.region"() ({
      %run_scoped3A = tpu.sem_alloc : memref<!tpu.dma_semaphore, #tpu.memory_space<semaphore_mem>>
      %dma_start3A_122 = arith.constant 8000 : i32
      %dma_start3A_123 = tpu.memref_slice %arg10[%dma_start3A_122] : memref<10000xi32, #tpu.memory_space<vmem>> -> memref<2000xi32, #tpu.memory_space<vmem>>
      %dma_start3A_124 = arith.constant 0 : i32
      %dma_start3A_125 = arith.constant 0 : i32
      %dma_start3A_126 = tpu.memref_slice %arg14[%dma_start3A_124, %dma_start3A_125] : memref<10112x16xf32, #tpu.memory_space<vmem_shared>> -> memref<10112x16xf32, #tpu.memory_space<vmem_shared>>
      tpu.enqueue_indirect_dma source(%arg11 : memref<2000x16xf32, #tpu.memory_space<vmem>>) target(%dma_start3A_126 : memref<10112x16xf32, #tpu.memory_space<vmem_shared>>) offsets(%dma_start3A_123 : memref<2000xi32, #tpu.memory_space<vmem>>) semaphore(%run_scoped3A : memref<!tpu.dma_semaphore, #tpu.memory_space<semaphore_mem>>) {add = true}
      %dma_wait3A_127 = arith.constant 8000 : i32
      %dma_wait3A_128 = tpu.memref_slice %arg10[%dma_wait3A_127] : memref<10000xi32, #tpu.memory_space<vmem>> -> memref<2000xi32, #tpu.memory_space<vmem>>
      %dma_wait3A_129 = arith.constant 0 : i32
      %dma_wait3A_130 = arith.constant 0 : i32
      %dma_wait3A_131 = tpu.memref_slice %arg14[%dma_wait3A_129, %dma_wait3A_130] : memref<10112x16xf32, #tpu.memory_space<vmem_shared>> -> memref<10112x16xf32, #tpu.memory_space<vmem_shared>>
      tpu.wait_indirect_dma semaphore(%run_scoped3A : memref<!tpu.dma_semaphore, #tpu.memory_space<semaphore_mem>>) src(%arg11 : memref<2000x16xf32, #tpu.memory_space<vmem>>) dst(%dma_wait3A_131 : memref<10112x16xf32, #tpu.memory_space<vmem_shared>>)
      tpu.yield
    }) : () -> ()
    %barrier3A_111 = arith.constant 0 : index
    tpu.barrier barrier_id(%barrier3A_111)
    %lt3A_112 = arith.constant 15 : i32
    %lt3A_113 = arith.cmpi slt, %arg1, %lt3A_112 : i32
    %convert_element_type3A_114 = arith.extui %lt3A_113 : i1 to i32
    %cond3A_115 = arith.constant 0 : i32
    %cond3A_116 = arith.cmpi ne, %convert_element_type3A_114, %cond3A_115 : i32
    scf.if %cond3A_116 {
      %mul3A_122 = arith.constant 632 : i32
      %mul3A_123 = arith.muli %arg1, %mul3A_122 : i32
      %mul3A_124 = arith.constant 632 : i32
      %mul3A_125 = arith.muli %arg1, %mul3A_124 : i32
      "tpu.region"() ({
        %run_scoped3A = tpu.sem_alloc : memref<!tpu.dma_semaphore, #tpu.memory_space<semaphore_mem>>
        %dma_start3A_126 = arith.constant 0 : i32
        %dma_start3A_127 = tpu.memref_slice %arg7[%arg0, %mul3A_125, %dma_start3A_126] : memref<2x10000x16xf32, #tpu.memory_space<hbm>> -> memref<1x632x16xf32, #tpu.memory_space<hbm>>
        %dma_start3A_128 = tpu.memref_squeeze %dma_start3A_127 : memref<1x632x16xf32, #tpu.memory_space<hbm>> -> memref<632x16xf32, #tpu.memory_space<hbm>>
        %dma_start3A_129 = arith.constant 0 : i32
        %dma_start3A_130 = tpu.memref_slice %arg14[%mul3A_123, %dma_start3A_129] : memref<10112x16xf32, #tpu.memory_space<vmem_shared>> -> memref<632x16xf32, #tpu.memory_space<vmem_shared>>
        tpu.enqueue_dma source(%dma_start3A_130 : memref<632x16xf32, #tpu.memory_space<vmem_shared>>) target(%dma_start3A_128 : memref<632x16xf32, #tpu.memory_space<hbm>>) target_semaphore(%run_scoped3A : memref<!tpu.dma_semaphore, #tpu.memory_space<semaphore_mem>>)
        %dma_wait3A_131 = arith.constant 0 : i32
        %dma_wait3A_132 = tpu.memref_slice %arg7[%arg0, %mul3A_125, %dma_wait3A_131] : memref<2x10000x16xf32, #tpu.memory_space<hbm>> -> memref<1x632x16xf32, #tpu.memory_space<hbm>>
        %dma_wait3A_133 = tpu.memref_squeeze %dma_wait3A_132 : memref<1x632x16xf32, #tpu.memory_space<hbm>> -> memref<632x16xf32, #tpu.memory_space<hbm>>
        %dma_wait3A_134 = arith.constant 0 : i32
        %dma_wait3A_135 = tpu.memref_slice %arg14[%mul3A_123, %dma_wait3A_134] : memref<10112x16xf32, #tpu.memory_space<vmem_shared>> -> memref<632x16xf32, #tpu.memory_space<vmem_shared>>
        tpu.wait_dma2 semaphore(%run_scoped3A : memref<!tpu.dma_semaphore, #tpu.memory_space<semaphore_mem>>) src(%dma_wait3A_135 : memref<632x16xf32, #tpu.memory_space<vmem_shared>>) dst(%dma_wait3A_133 : memref<632x16xf32, #tpu.memory_space<hbm>>)
        tpu.yield
      }) : () -> ()
    } else {
    }
    %eq3A_117 = arith.constant 15 : i32
    %eq3A_118 = arith.cmpi eq, %arg1, %eq3A_117 : i32
    %convert_element_type3A_119 = arith.extui %eq3A_118 : i1 to i32
    %cond3A_120 = arith.constant 0 : i32
    %cond3A_121 = arith.cmpi ne, %convert_element_type3A_119, %cond3A_120 : i32
    scf.if %cond3A_121 {
      "tpu.region"() ({
        %run_scoped3A = tpu.sem_alloc : memref<!tpu.dma_semaphore, #tpu.memory_space<semaphore_mem>>
        %dma_start3A_122 = arith.constant 9480 : i32
        %dma_start3A_123 = arith.constant 0 : i32
        %dma_start3A_124 = tpu.memref_slice %arg7[%arg0, %dma_start3A_122, %dma_start3A_123] : memref<2x10000x16xf32, #tpu.memory_space<hbm>> -> memref<1x520x16xf32, #tpu.memory_space<hbm>>
        %dma_start3A_125 = tpu.memref_squeeze %dma_start3A_124 : memref<1x520x16xf32, #tpu.memory_space<hbm>> -> memref<520x16xf32, #tpu.memory_space<hbm>>
        %dma_start3A_126 = arith.constant 9480 : i32
        %dma_start3A_127 = arith.constant 0 : i32
        %dma_start3A_128 = tpu.memref_slice %arg14[%dma_start3A_126, %dma_start3A_127] : memref<10112x16xf32, #tpu.memory_space<vmem_shared>> -> memref<520x16xf32, #tpu.memory_space<vmem_shared>>
        tpu.enqueue_dma source(%dma_start3A_128 : memref<520x16xf32, #tpu.memory_space<vmem_shared>>) target(%dma_start3A_125 : memref<520x16xf32, #tpu.memory_space<hbm>>) target_semaphore(%run_scoped3A : memref<!tpu.dma_semaphore, #tpu.memory_space<semaphore_mem>>)
        %dma_wait3A_129 = arith.constant 9480 : i32
        %dma_wait3A_130 = arith.constant 0 : i32
        %dma_wait3A_131 = tpu.memref_slice %arg7[%arg0, %dma_wait3A_129, %dma_wait3A_130] : memref<2x10000x16xf32, #tpu.memory_space<hbm>> -> memref<1x520x16xf32, #tpu.memory_space<hbm>>
        %dma_wait3A_132 = tpu.memref_squeeze %dma_wait3A_131 : memref<1x520x16xf32, #tpu.memory_space<hbm>> -> memref<520x16xf32, #tpu.memory_space<hbm>>
        %dma_wait3A_133 = arith.constant 9480 : i32
        %dma_wait3A_134 = arith.constant 0 : i32
        %dma_wait3A_135 = tpu.memref_slice %arg14[%dma_wait3A_133, %dma_wait3A_134] : memref<10112x16xf32, #tpu.memory_space<vmem_shared>> -> memref<520x16xf32, #tpu.memory_space<vmem_shared>>
        tpu.wait_dma2 semaphore(%run_scoped3A : memref<!tpu.dma_semaphore, #tpu.memory_space<semaphore_mem>>) src(%dma_wait3A_135 : memref<520x16xf32, #tpu.memory_space<vmem_shared>>) dst(%dma_wait3A_132 : memref<520x16xf32, #tpu.memory_space<hbm>>)
        tpu.yield
      }) : () -> ()
    } else {
    }
    return
  }
}

module attributes {stable_mosaic.version = 14 : i64} {
  func.func @_proj_body(%arg0: i32, %arg1: memref<2000x128xf32, #tpu.memory_space<vmem>>, %arg2: memref<32x128xf32, #tpu.memory_space<vmem>>, %arg3: memref<1x32xf32, #tpu.memory_space<vmem>>, %arg4: memref<2000x32xf32, #tpu.memory_space<vmem>>) attributes {dimension_semantics = [#tpu.dimension_semantics<arbitrary>], iteration_bounds = array<i64: 5>, scalar_prefetch = 0 : i64, scratch_operands = 0 : i64, tpu.core_type = #tpu.core_type<tc>, window_params = [{transform_indices = @transform_0, window_bounds = array<i64: 2000, 128>}, {pipeline_mode = #tpu.pipeline_mode<synchronous>, transform_indices = @transform_1, window_bounds = array<i64: 32, 128>}, {pipeline_mode = #tpu.pipeline_mode<synchronous>, transform_indices = @transform_2, window_bounds = array<i64: 1, 32>}, {transform_indices = @transform_3, window_bounds = array<i64: 2000, 32>}]} {
    %get3A = arith.constant 0 : index
    %get3A_0 = arith.constant 0 : index
    %get3A_1 = vector.load %arg1[%get3A, %get3A_0] : memref<2000x128xf32, #tpu.memory_space<vmem>>, vector<2000x128xf32>
    %get3A_2 = arith.constant 0 : index
    %get3A_3 = arith.constant 0 : index
    %get3A_4 = vector.load %arg2[%get3A_2, %get3A_3] : memref<32x128xf32, #tpu.memory_space<vmem>>, vector<32x128xf32>
    %dot_general3A = arith.constant dense<0.000000e+00> : vector<2000x32xf32>
    %dot_general3A_5 = tpu.matmul %get3A_1, %get3A_4, %dot_general3A {dimension_numbers = #tpu.dot_dimension_numbers<[1], [1], [0], [0], [0, 0, 1, 0], [], []>, transpose_lhs_hint = false} : vector<2000x128xf32>, vector<32x128xf32>, vector<2000x32xf32> -> vector<2000x32xf32>
    %get3A_6 = arith.constant 0 : index
    %get3A_7 = arith.constant 0 : index
    %get3A_8 = vector.load %arg3[%get3A_6, %get3A_7] : memref<1x32xf32, #tpu.memory_space<vmem>>, vector<1x32xf32>
    %add3A = vector.broadcast %get3A_8 : vector<1x32xf32> to vector<2000x32xf32>
    %add3A_9 = arith.addf %dot_general3A_5, %add3A : vector<2000x32xf32>
    %swap3A = arith.constant 0 : index
    %swap3A_10 = arith.constant 0 : index
    %swap3A_11 = vector.load %arg4[%swap3A, %swap3A_10] : memref<2000x32xf32, #tpu.memory_space<vmem>>, vector<2000x32xf32>
    tpu.vector_store %arg4[%swap3A, %swap3A_10], %add3A_9 {strides = array<i32>} : memref<2000x32xf32, #tpu.memory_space<vmem>>, vector<2000x32xf32>,
    return
  }
  func.func @transform_0(%arg0: i32) -> (i32, i32) {
    %c0_i32 = arith.constant 0 : i32
    %c0_i32_0 = arith.constant 0 : i32
    return %arg0, %c0_i32 : i32, i32
  }
  func.func @transform_1(%arg0: i32) -> (i32, i32) {
    %c0_i32 = arith.constant 0 : i32
    %c0_i32_0 = arith.constant 0 : i32
    %c0_i32_1 = arith.constant 0 : i32
    return %c0_i32, %c0_i32_0 : i32, i32
  }
  func.func @transform_2(%arg0: i32) -> (i32, i32) {
    %c0_i32 = arith.constant 0 : i32
    %c0_i32_0 = arith.constant 0 : i32
    %c0_i32_1 = arith.constant 0 : i32
    return %c0_i32, %c0_i32_0 : i32, i32
  }
  func.func @transform_3(%arg0: i32) -> (i32, i32) {
    %c0_i32 = arith.constant 0 : i32
    %c0_i32_0 = arith.constant 0 : i32
    return %arg0, %c0_i32 : i32, i32
  }
}

module attributes {stable_mosaic.version = 14 : i64} {
  func.func @_final_body(%arg0: i32, %arg1: memref<2x2000x16xf32, #tpu.memory_space<vmem>>, %arg2: memref<2000x16xf32, #tpu.memory_space<vmem>>, %arg3: memref<16x16xf32, #tpu.memory_space<vmem>>, %arg4: memref<16x16xf32, #tpu.memory_space<vmem>>, %arg5: memref<1x16xf32, #tpu.memory_space<vmem>>, %arg6: memref<2000x16xf32, #tpu.memory_space<vmem>>) attributes {dimension_semantics = [#tpu.dimension_semantics<arbitrary>], iteration_bounds = array<i64: 5>, scalar_prefetch = 0 : i64, scratch_operands = 0 : i64, tpu.core_type = #tpu.core_type<tc>, window_params = [{transform_indices = @transform_0, window_bounds = array<i64: 2, 2000, 16>}, {transform_indices = @transform_1, window_bounds = array<i64: 2000, 16>}, {pipeline_mode = #tpu.pipeline_mode<synchronous>, transform_indices = @transform_2, window_bounds = array<i64: 16, 16>}, {pipeline_mode = #tpu.pipeline_mode<synchronous>, transform_indices = @transform_3, window_bounds = array<i64: 16, 16>}, {pipeline_mode = #tpu.pipeline_mode<synchronous>, transform_indices = @transform_4, window_bounds = array<i64: 1, 16>}, {transform_indices = @transform_5, window_bounds = array<i64: 2000, 16>}]} {
    %get3A = arith.constant 0 : index
    %get3A_0 = arith.constant 0 : index
    %get3A_1 = arith.constant 0 : index
    %get3A_2 = vector.load %arg1[%get3A, %get3A_0, %get3A_1] : memref<2x2000x16xf32, #tpu.memory_space<vmem>>, vector<1x2000x16xf32>
    %get3A_3 = vector.shape_cast %get3A_2 : vector<1x2000x16xf32> to vector<2000x16xf32>
    %get3A_4 = arith.constant 1 : index
    %get3A_5 = arith.constant 0 : index
    %get3A_6 = arith.constant 0 : index
    %get3A_7 = vector.load %arg1[%get3A_4, %get3A_5, %get3A_6] : memref<2x2000x16xf32, #tpu.memory_space<vmem>>, vector<1x2000x16xf32>
    %get3A_8 = vector.shape_cast %get3A_7 : vector<1x2000x16xf32> to vector<2000x16xf32>
    %add3A = arith.addf %get3A_3, %get3A_8 : vector<2000x16xf32>
    %get3A_9 = arith.constant 0 : index
    %get3A_10 = arith.constant 0 : index
    %get3A_11 = vector.load %arg3[%get3A_9, %get3A_10] : memref<16x16xf32, #tpu.memory_space<vmem>>, vector<16x16xf32>
    %dot_general3A = arith.constant dense<0.000000e+00> : vector<2000x16xf32>
    %dot_general3A_12 = tpu.matmul %add3A, %get3A_11, %dot_general3A {dimension_numbers = #tpu.dot_dimension_numbers<[1], [1], [0], [0], [0, 0, 1, 0], [], []>, transpose_lhs_hint = false} : vector<2000x16xf32>, vector<16x16xf32>, vector<2000x16xf32> -> vector<2000x16xf32>
    %get3A_13 = arith.constant 0 : index
    %get3A_14 = arith.constant 0 : index
    %get3A_15 = vector.load %arg2[%get3A_13, %get3A_14] : memref<2000x16xf32, #tpu.memory_space<vmem>>, vector<2000x16xf32>
    %get3A_16 = arith.constant 0 : index
    %get3A_17 = arith.constant 0 : index
    %get3A_18 = vector.load %arg4[%get3A_16, %get3A_17] : memref<16x16xf32, #tpu.memory_space<vmem>>, vector<16x16xf32>
    %dot_general3A_19 = arith.constant dense<0.000000e+00> : vector<2000x16xf32>
    %dot_general3A_20 = tpu.matmul %get3A_15, %get3A_18, %dot_general3A_19 {dimension_numbers = #tpu.dot_dimension_numbers<[1], [1], [0], [0], [0, 0, 1, 0], [], []>, transpose_lhs_hint = false} : vector<2000x16xf32>, vector<16x16xf32>, vector<2000x16xf32> -> vector<2000x16xf32>
    %add3A_21 = arith.addf %dot_general3A_12, %dot_general3A_20 : vector<2000x16xf32>
    %get3A_22 = arith.constant 0 : index
    %get3A_23 = arith.constant 0 : index
    %get3A_24 = vector.load %arg5[%get3A_22, %get3A_23] : memref<1x16xf32, #tpu.memory_space<vmem>>, vector<1x16xf32>
    %add3A_25 = vector.broadcast %get3A_24 : vector<1x16xf32> to vector<2000x16xf32>
    %add3A_26 = arith.addf %add3A_21, %add3A_25 : vector<2000x16xf32>
    %iota3A = tpu.iota {dimensions = array<i32: 1>} : vector<2000x16xi32>
    %lt3A = arith.constant 10 : i32
    %lt3A_27 = vector.broadcast %lt3A : i32 to vector<2000x16xi32>
    %lt3A_28 = arith.cmpi slt, %iota3A, %lt3A_27 : vector<2000x16xi32>
    %jit3A = arith.constant 0xFF800000 : f32
    %broadcast_in_dim3A = vector.broadcast %jit3A : f32 to vector<2000x16xf32>
    %select_n3A = arith.select %lt3A_28, %add3A_26, %broadcast_in_dim3A : vector<2000x16xi1>, vector<2000x16xf32>
    %reduce_max3A = arith.constant dense<0xFF800000> : vector<2000xf32>
    %reduce_max3A_29 = vector.multi_reduction <maximumf>, %select_n3A, %reduce_max3A [1] : vector<2000x16xf32> to vector<2000xf32>
    %broadcast_in_dim3A_30 = vector.shape_cast %reduce_max3A_29 : vector<2000xf32> to vector<2000x1xf32>
    %sub3A = vector.broadcast %broadcast_in_dim3A_30 : vector<2000x1xf32> to vector<2000x16xf32>
    %sub3A_31 = arith.subf %add3A_26, %sub3A : vector<2000x16xf32>
    %exp3A = math.exp %sub3A_31 : vector<2000x16xf32>
    %jit3A_32 = arith.constant 0.000000e+00 : f32
    %broadcast_in_dim3A_33 = vector.broadcast %jit3A_32 : f32 to vector<2000x16xf32>
    %select_n3A_34 = arith.select %lt3A_28, %exp3A, %broadcast_in_dim3A_33 : vector<2000x16xi1>, vector<2000x16xf32>
    %reduce_sum3A = arith.constant dense<0.000000e+00> : vector<2000xf32>
    %reduce_sum3A_35 = vector.multi_reduction <add>, %select_n3A_34, %reduce_sum3A [1] : vector<2000x16xf32> to vector<2000xf32>
    %broadcast_in_dim3A_36 = vector.shape_cast %reduce_sum3A_35 : vector<2000xf32> to vector<2000x1xf32>
    %sub3A_37 = vector.broadcast %broadcast_in_dim3A_30 : vector<2000x1xf32> to vector<2000x16xf32>
    %sub3A_38 = arith.subf %add3A_26, %sub3A_37 : vector<2000x16xf32>
    %log3A = math.log %broadcast_in_dim3A_36 : vector<2000x1xf32>
    %sub3A_39 = vector.broadcast %log3A : vector<2000x1xf32> to vector<2000x16xf32>
    %sub3A_40 = arith.subf %sub3A_38, %sub3A_39 : vector<2000x16xf32>
    %swap3A = arith.constant 0 : index
    %swap3A_41 = arith.constant 0 : index
    %swap3A_42 = vector.load %arg6[%swap3A, %swap3A_41] : memref<2000x16xf32, #tpu.memory_space<vmem>>, vector<2000x16xf32>
    tpu.vector_store %arg6[%swap3A, %swap3A_41], %sub3A_40 {strides = array<i32>} : memref<2000x16xf32, #tpu.memory_space<vmem>>, vector<2000x16xf32>,
    return
  }
  func.func @transform_0(%arg0: i32) -> (i32, i32, i32) {
    %c0_i32 = arith.constant 0 : i32
    %c0_i32_0 = arith.constant 0 : i32
    %c0_i32_1 = arith.constant 0 : i32
    return %c0_i32, %arg0, %c0_i32_0 : i32, i32, i32
  }
  func.func @transform_1(%arg0: i32) -> (i32, i32) {
    %c0_i32 = arith.constant 0 : i32
    %c0_i32_0 = arith.constant 0 : i32
    return %arg0, %c0_i32 : i32, i32
  }
  func.func @transform_2(%arg0: i32) -> (i32, i32) {
    %c0_i32 = arith.constant 0 : i32
    %c0_i32_0 = arith.constant 0 : i32
    %c0_i32_1 = arith.constant 0 : i32
    return %c0_i32, %c0_i32_0 : i32, i32
  }
  func.func @transform_3(%arg0: i32) -> (i32, i32) {
    %c0_i32 = arith.constant 0 : i32
    %c0_i32_0 = arith.constant 0 : i32
    %c0_i32_1 = arith.constant 0 : i32
    return %c0_i32, %c0_i32_0 : i32, i32
  }
  func.func @transform_4(%arg0: i32) -> (i32, i32) {
    %c0_i32 = arith.constant 0 : i32
    %c0_i32_0 = arith.constant 0 : i32
    %c0_i32_1 = arith.constant 0 : i32
    return %c0_i32, %c0_i32_0 : i32, i32
  }
  func.func @transform_5(%arg0: i32) -> (i32, i32) {
    %c0_i32 = arith.constant 0 : i32
    %c0_i32_0 = arith.constant 0 : i32
    return %arg0, %c0_i32 : i32, i32
  }
}

</mosaic_0001>

<sc_bundles>
// kernel: kernel.6.cloned.1.call-start
scs
__scs_entry_jumppad:
0x0: {  	(pc) =	sbr.rel $0x88, $3  }
0x1: {  	(tag) =	ssettag $0x0;
	lr =	simm.s32 $0x1  }
0x2: {  	[smem:$0x3F99] =	sst lr;
	_ =	strace $0xD0000000  }
0x3: {  	_ = 	snop  }
0x4: {  	_ = 	snop  }
0x5: {  	_ = 	snop  }
0x6: {  	_ = 	snop  }
0x7: {  	_ = 	snop  }
__scs_overlays_trampoline_lowered:
0x8: {  	[smem:$0x3FA8] =	sst s0  }
0x9: {  	[smem:$0x3FA9] =	sst s1  }
0xa: {  	[smem:$0x3FAA] =	sst s2  }
0xb: {  	[smem:$0x3FAB] =	sst s3  }
0xc: {  	[smem:$0x3FAC] =	sst s4  }
0xd: {  	[smem:$0x3FAD] =	sst s5  }
0xe: {  	[smem:$0x3FAE] =	sst s6  }
0xf: {  	[smem:$0x3FAF] =	sst s7  }
0x10: {  	[smem:$0x3FB0] =	sst s8  }
0x11: {  	[smem:$0x3FB1] =	sst s9;
	s0 =	simm.s32 @!p0 $0x0  }
0x12: {  	s1 =	sld [smem:$0x3F97];
	s0 =	simm.s32 @p0 $0x1  }
0x13: {  	[smem:$0x3FB2] =	sst s0;
	s0 =	simm.s32 @!p1 $0x0  }
0x14: {  	s2 =	sld [smem:$0x3F96];
	s0 =	simm.s32 @p1 $0x1  }
0x15: {  	[smem:$0x3FB3] =	sst s0;
	s0 =	simm.s32 @!p2 $0x0  }
0x16: {  	s3 =	sld [smem:$0x3FDB];
	s0 =	simm.s32 @p2 $0x1  }
0x17: {  	s4 =	simm.s32 $0x1BF5;
	[smem:$0x3FB5] =	sst s0  }
0x18: {  	s0 =	sld [smem:$0x3F98];
	_ =	swait.ge [sflag:s4], $0x0  }
0x19: {  	s7 =	sld [smem:$0x3F99]  }
0x1a: {  	s8 =	sadd.s32 $0xFFFFE003, lr  }
0x1b: {  	s9 =	sadd.s32 $0xFFFFFEF7, lr;
	s5 =	simm.s32 $0xFFFFFFFF;
	p2 =	slt.u32 s8, $0xFFFFF086  }
0x1c: {  	p1 =	slt.u32 s9, $0xF7A;
	s5 =	simm.s32 @!p2 $0x0  }
0x1d: {  	s5 =	simm.s32 @p1 $0x1;
	p0 =	seq.s32 s7, s2  }
0x1e: {  	s7 =	smul.u32 @!p0 $0xF7A, s2;
	p2 =	seq.s32 @!p0 s5, $0x0  }
0x1f: {  	s9 =	smul.u32 $0xF7A, s1;
	s8 =	simm.s32 @!p0 $0x1BF5;
	p2 =	por !p2, p0  }
0x20: {  	[sflag:s8] =	ssyncset.s32 @!p0 $0xFFFFF086;
	s6 =	sadd.s32 @!p0 s3, s7;
	s7 =	simm.s32 @!p0 $0x108  }
0x21: {  	s3 =	sadd.s32 s3, s9;
	s6 =	sadd.s32 @!p0 $0x88, s6;
	s7 =	simm.s32 @p2 $0x1082  }
0x22: {  	[simem:s7], [sflag:s8] =	dma.local @!p0 [hbm:s6], $0xF7A  }
0x23: {  	s9 =	sor.u32 $0xD0000000, s2;
	s6 =	simm.s32 $0x108;
	_ =	swait.ge @!p0 [sflag:s8], $0x0  }
0x24: {  	s3 =	sadd.s32 $0x88, s3;
	s6 =	simm.s32 @!p1 $0x1082;
	[sflag:s4] =	ssyncset.s32 $0xFFFFF086  }
0x25: {  	[simem:s6], [sflag:s4] =	dma.local [hbm:s3], $0xF7A  }
0x26: {  	[smem:$0x3F99] =	sst s1;
	(tag) =	ssettag s2;
	_ =	strace s9  }
0x27: {  	s1 =	sld [smem:$0x3FA9]  }
0x28: {  	s2 =	sld [smem:$0x3FAA]  }
0x29: {  	s4 =	sld [smem:$0x3FAC]  }
0x2a: {  	p0 =	seq.s32 s5, $0x0;
	s5 =	sld [smem:$0x3FAD]  }
0x2b: {  	s6 =	sld [smem:$0x3FAE]  }
0x2c: {  	s7 =	sld [smem:$0x3FAF]  }
0x2d: {  	s3 =	simm.s32 $0x108;
	s8 =	sld [smem:$0x3FB0]  }
0x2e: {  	s3 =	simm.s32 @!p0 $0x1082;
	s9 =	sld [smem:$0x3FB1]  }
0x2f: {  	lr =	sadd.s32 s0, s3;
	s0 =	sld [smem:$0x3FA8]  }
0x30: {  	s3 =	sld [smem:$0x3FAB]  }
0x31: {  	[smem:$0x3FB4] =	sst s10  }
0x32: {  	s10 =	sld [smem:$0x3FB2];
	_ =	sdelay $0x3  }
0x33: {  	p0 =	seq.s32 s10, $0x1;
	s10 =	sld [smem:$0x3FB4];
	_ =	sdelay $0x3  }
0x34: {  	[smem:$0x3FB4] =	sst s10  }
0x35: {  	s10 =	sld [smem:$0x3FB3];
	_ =	sdelay $0x3  }
0x36: {  	p1 =	seq.s32 s10, $0x1;
	s10 =	sld [smem:$0x3FB4];
	_ =	sdelay $0x3  }
0x37: {  	[smem:$0x3FB4] =	sst s10  }
0x38: {  	s10 =	sld [smem:$0x3FB5]  }
0x39: {  	_ = 	snop;
	(pc) =	sbr.ind lr, $3  }
0x3a: {  	_ = 	snop  }
0x3b: {  	_ = 	snop  }
0x3c: {  	p2 =	seq.s32 s10, $0x1;
	s10 =	sld [smem:$0x3FB4]  }
0x3d: {  	_ =	shalt  }
0x3e: {  	_ =	shalt  }
0x3f: {  	_ =	shalt  }
0x40: {  	_ =	shalt  }
0x41: {  	_ =	shalt  }
0x42: {  	_ =	shalt  }
0x43: {  	_ =	shalt  }
0x44: {  	_ =	shalt  }
0x45: {  	_ =	shalt  }
0x46: {  	_ =	shalt  }
0x47: {  	_ =	shalt  }
0x48: {  	_ =	shalt  }
0x49: {  	_ =	shalt  }
0x4a: {  	_ =	shalt  }
0x4b: {  	_ =	shalt  }
0x4c: {  	_ =	shalt  }
0x4d: {  	_ =	shalt  }
0x4e: {  	_ =	shalt  }
0x4f: {  	_ =	shalt  }
0x50: {  	_ =	shalt  }
0x51: {  	_ =	shalt  }
0x52: {  	_ =	shalt  }
0x53: {  	_ =	shalt  }
0x54: {  	_ =	shalt  }
0x55: {  	_ =	shalt  }
0x56: {  	_ =	shalt  }
0x57: {  	_ =	shalt  }
0x58: {  	_ =	shalt  }
0x59: {  	_ =	shalt  }
0x5a: {  	_ =	shalt  }
0x5b: {  	_ =	shalt  }
0x5c: {  	_ =	shalt  }
0x5d: {  	_ =	shalt  }
0x5e: {  	_ =	shalt  }
0x5f: {  	_ =	shalt  }
0x60: {  	_ =	shalt  }
0x61: {  	_ =	shalt  }
0x62: {  	_ =	shalt  }
0x63: {  	_ =	shalt  }
0x64: {  	_ =	shalt  }
0x65: {  	_ =	shalt  }
0x66: {  	_ =	shalt  }
0x67: {  	_ =	shalt  }
0x68: {  	_ =	shalt  }
0x69: {  	_ =	shalt  }
0x6a: {  	_ =	shalt  }
0x6b: {  	_ =	shalt  }
0x6c: {  	_ =	shalt  }
0x6d: {  	_ =	shalt  }
0x6e: {  	_ =	shalt  }
0x6f: {  	_ =	shalt  }
0x70: {  	_ =	shalt  }
0x71: {  	_ =	shalt  }
0x72: {  	_ =	shalt  }
0x73: {  	_ =	shalt  }
0x74: {  	_ =	shalt  }
0x75: {  	_ =	shalt  }
0x76: {  	_ =	shalt  }
0x77: {  	_ =	shalt  }
0x78: {  	_ =	shalt  }
0x79: {  	_ =	shalt  }
0x7a: {  	_ =	shalt  }
0x7b: {  	_ =	shalt  }
0x7c: {  	_ =	shalt  }
0x7d: {  	_ =	shalt  }
0x7e: {  	_ =	shalt  }
0x7f: {  	_ =	shalt  }
0x80: {  	_ =	shalt  }
0x81: {  	_ =	shalt  }
0x82: {  	_ =	shalt  }
0x83: {  	_ =	shalt  }
0x84: {  	_ =	shalt  }
0x85: {  	_ =	shalt  }
0x86: {  	_ =	shalt  }
0x87: {  	_ =	shalt  }
.Lfunc_end0:
.L_simem_size_0:
called_computation_lowered:
.L_overlay_start_0:
0x88: {  	s2 =	sld [smem:$0x3FD9]  }
0x89: {  	s3 =	sld [smem:$0x3FFE];
	_ =	sdelay $0x1  }
0x8a: {  	s1 =	srdreg.scid  }
0x8b: {  	s0 =	sand.u32 $0x1, s1  }
0x8c: {  	s17 =	sshll.u32 s0, $0xA;
	s2 =	sadd.s32 s3, s2  }
0x8d: {  	s2 =	sadd.s32 s2, s17  }
0x8e: {  	[smem:$0x3FC0] =	sst s2  }
0x8f: {  	_ = 	snop  }
0x90: {  	s2 =	sld [smem:$0x3FD0];
	(tm) =	ssettm $0x1  }
0x91: {  	s18 =	sld [smem:$0x3FFB];
	_ =	sdelay $0x3  }
0x92: {  	_ =	strace s18  }
0x93: {  	s3 =	sld [smem:$0x3FFC];
	_ =	sdelay $0x3  }
0x94: {  	_ =	strace s3  }
0x95: {  	s3 =	sld [smem:$0x3FFD];
	_ =	sdelay $0x3  }
0x96: {  	_ =	strace s3  }
0x97: {  	_ =	strace $0x8FFFFFFF  }
0x98: {  	s19 =	sld [smem:$0x3FDB];
	_ =	sdelay $0x1  }
0x99: {  	s4 =	simm.s32 $_scs_section_size  }
0x9a: {  	s5 =	simm.s32 $_size__tile_overlayer_lowered;
	s6 =	simm.s32 $_tile_overlayer_lowered  }
0x9b: {  	s22 =	simm.s32 $0x1BFF;
	s21 =	sshll.u32 s6, $0x1;
	s3 =	sadd.s32 s4, s19  }
0x9c: {  	s7 =	simm.s32 $0x0;
	s20 =	sshll.u32 s5, $0x1;
	s5 =	sadd.s32 s21, s3  }
0x9d: {  	[timem:s7], [sflag:s22] =	dma.local [hbm:s5], s20  }
0x9e: {  	_ =	swait.ge [sflag:s22], s20  }
0x9f: {  	s4 =	ssub.s32 $0x0, s20;
	[sflag:s22] =	ssyncset.done $0x0  }
0xa0: {  	[sflag:s22] =	ssyncadd.s32 s4;
	_ =	sdelay $0x1  }
0xa1: {  	s23 =	simm.s32 $0x1B8B  }
0xa2: {  	_ =	swait.ge [sflag:s23], $0x1  }
0xa3: {  	[sflag:s23] =	ssyncset.done $0x0  }
0xa4: {  	s25 =	simm.s32 $0x1B8E;
	s24 =	sld [smem:$0x3FFE];
	[sflag:s23] =	ssyncadd.s32 $0xFFFFFFFF  }
0xa5: {  	s26 =	simm.s32 $execute0_lowered;
	[smem:$0x3FD2] =	sst s25  }
0xa6: {  	s5 =	sshll.u32 s26, $0x1;
	_ =	strace $0x80000046;
	[dreg:$0x1] =	wrdreg $0xFFFFFFFF  }
0xa7: {  	s28 =	simm.s32 $_size_execute0_lowered;
	s3 =	sadd.s32 s3, s5;
	[dreg:$0x0] =	wrdreg $0x0  }
0xa8: {  	s5 =	sshll.u32 s28, $0x1;
	[dreg:$0x2] =	wrdreg s3  }
0xa9: {  	[dreg:$0x3] =	wrdreg s5  }
0xaa: {  	[dreg:$0x4] =	wrdreg $0xC0  }
0xab: {  	_ =	task [dreg:s7], $0x5FFFF  }
0xac: {  	[dreg:$0x1] =	wrdreg $0xFFFFFFFF  }
0xad: {  	[dreg:$0x0] =	wrdreg $0x60  }
0xae: {  	[dreg:$0x2] =	wrdreg s2  }
0xaf: {  	[dreg:$0x3] =	wrdreg s24  }
0xb0: {  	[dreg:$0x4] =	wrdreg $0x148200  }
0xb1: {  	[dreg:$0x5] =	wrdreg $0x9  }
0xb2: {  	_ =	task.clear_ibuf [dreg:s7], $0x6FFFF;
	_ =	strace $0x90000046  }
0xb3: {  	s29 =	simm.s32 $0x9;
	_ =	strace $0x80000048  }
0xb4: {  	_ =	swait.ge [sflag:s29], $0x1  }
0xb5: {  	[sflag:s29] =	ssyncadd.s32 $0xFFFFFFFF  }
0xb6: {  	_ =	strace $0x90000048  }
0xb7: {  	_ =	sfence  }
0xb8: {  	s30 =	sld [smem:$0x0];
	_ =	sdelay $0x2  }
0xb9: {  	s31 =	sshll.u32 s1, $0xD;
	s1 =	sshrl.u32 s1, $0x2  }
0xba: {  	s3 =	sand.u32 $0x4000, s31;
	s1 =	sadd.s32 s1, s30  }
0xbb: {  	s0 =	sor.u32 s3, s0;
	s1 =	sshll.u32 s1, $0x11  }
0xbc: {  	s0 =	sor.u32 s1, s0  }
0xbd: {  	s0 =	sadd.s32 $0x8F2B, s0  }
0xbe: {  	[sflag:s0] =	ssyncadd.remote.s32 $0x1  }
0xbf: {  	_ =	sfence.sel $0xFFFF  }
0xc0: {  	[dreg:$0x0] =	wrdreg $0xFFFFFFFF;
	(pc) =	sbr.abs _section_cstart, $3  }
0xc1: {  	[dreg:$0x1] =	wrdreg $0xFFFFFFFF  }
0xc2: {  	_ =	task.clear_ibuf [dreg:s7], $0x2FFFF;
	_ =	strace $0x9FFFFFFF  }
0xc3: {  	(tm) =	ssettm $0x7FFFFFFF  }
tec
execute0_lowered:
.L_overlay_start_1:
0x0: {  	(tag) =	ssettag $0x1  }
0x1: {  	s3 =	rddreg [dreg:$0x0]  }
0x2: {  	s4 =	rddreg [dreg:$0x1]  }
0x3: {  	s0 =	srdreg.scid;
	s2 =	rddreg [dreg:$0x2]  }
0x4: {  	s28 =	stileid.u32;
	s16 =	rddreg [dreg:$0x3]  }
0x5: {  	s9 =	simm.s32 $0x0;
	s21 =	simm.s32 $0x2710;
	s24 =	simm.s32 $0x3  }
0x6: {  	s14 =	simm.s32 $0x2;
	s15 =	simm.s32 $0xCB20;
	s22 =	simm.s32 $0xFA0  }
0x7: {  	s23 =	simm.s32 $0x2EE0;
	s19 =	simm.s32 $0x1770;
	s20 =	simm.s32 $0x36B0  }
0x8: {  	s17 =	simm.s32 $0x1F40;
	s18 =	simm.s32 $0x3E80;
	s0 =	sand.u32 $0x1, s0  }
0x9: {  	[smem:$0x7FF] =	sst s9;
	s6 =	sadd.s32 $0x15000, s4;
	s10 =	smul.u32 $0x2780, s28  }
0xa: {  	s26 =	sadd.s32 $0x15600, s4;
	s29 =	sshll.u32 s28, $0x6;
	s5 =	sshll.u32 s0, $0x4  }
0xb: {  	s25 =	ssub.s32 $0x2, s0;
	s0 =	smul.u32 $0x27100, s0;
	s5 =	sor.u32 s28, s5  }
0xc: {  	_ =	strace $0x80000047;
	[dreg:$0x4] =	wrdreg s6;
	s5 =	smul.u32 $0x4E2, s5  }
0xd: {  	s7 =	sshrl.u32 s25, $0x1;
	s30 =	sadd.s32 s10, s0;
	s0 =	sshrl.u32 s0, $0x3  }
0xe: {  	s6 =	ssub.s32 s25, s7;
	s0 =	sadd.s32 s26, s0;
	s5 =	sadd.s32 s5, s4  }
0xf: {  	s12 =	smax.u32 s6, $0x1;
	s8 =	sadd.s32 $0xB200, s5;
	s5 =	sadd.s32 $0x1400, s5  }
0x10: {  	s4 =	sor.u32 $0x1C01, s29;
	[dreg:$0x6] =	wrdreg s5;
	s5 =	sshrl.u32 s30, $0x3  }
0x11: {  	[dreg:$0x7] =	wrdreg s4;
	s4 =	sadd.s32 s26, s5;
	s26 =	sadd.s32 $0xFFFFFFFF, s12  }
0x12: {  	s1 =	simm.s32 $0x4650;
	p1 =	por $0x0, $0x0;
	p2 =	sne.s32 s26, $0x0  }
.Ltmp0:
0x13: {  	p0 =	seq.s32 s28, $0xF;
	s11 =	sadd.s32 s10, s2;
	(pc) =	sbr.rel @!p2 .LBB2_1-.Ltmp0, $4  }
0x14: {  	s31 =	sshll.u32 @!p0 s28, $0x6;
	s25 =	sshrl.u32 s11, $0x3;
	s7 =	simm.s32 $0x7D0  }
0x15: {  	s10 =	simm.s32 $0x4E20;
	s11 =	sshrl.u32 @!p0 s11, $0x3;
	s6 =	simm.s32 $0x1  }
0x16: {  	[dreg:$0x5] =	wrdreg s8;
	s5 =	sadd.s32 $0x4A10, s0;
	s0 =	sadd.s32 $0x25080, s2  }
0x17: {  	s8 =	simm.s32 $0x4;
	s12 =	sshrl.u32 @p0 s0, $0x3;
	s0 =	rddreg [dreg:$0x7]  }
0x18: {  	s28 =	rddreg [dreg:$0x5]  }
0x19: {  	s29 =	rddreg [dreg:$0x4]  }
0x1a: {  	[tilespmem:s9], [sflag:$0x3] =	stream.linear.gather [hbm4b:s28+s9], $0x2710, $0x38;
	[tilespmem:$0x16FA0] =	vst v63  }
0x1b: {  	s30 =	rddreg [dreg:$0x6]  }
0x1c: {  	[tilespmem:s21], [sflag:$0x2] =	stream.linear.gather [hbm4b:s30+s9], $0x2710, $0x38;
	[tilespmem:$0x16FA0] =	vst v63  }
0x1d: {  	[spmem:s25], [sflag:s0] =	dma.local [hbm:s29], $0x4F0  }
0x1e: {  	_ =	swait.ge [sflag:s24], $0x2710  }
0x1f: {  	[sflag:s24] =	ssyncset.done $0x0  }
0x20: {  	[sflag:s24] =	ssyncadd.s32 $0xFFFFD8F0  }
0x21: {  	_ =	swait.ge [sflag:s6], $0x4F0  }
0x22: {  	[sflag:s6] =	ssyncset.done $0x0  }
0x23: {  	[sflag:s6] =	ssyncadd.s32 $0xFFFFFB10  }
0x24: {  	_ =	swait.ge [sflag:s14], $0x2710  }
0x25: {  	[sflag:s14] =	ssyncset.done $0x0  }
0x26: {  	[sflag:s14] =	ssyncadd.s32 $0xFFFFD8F0  }
0x27: {  	[tilespmem:s10], [sflag:$0x1] =	stream.indirect.gather [hbm4b:s3+s7], $0x10, s9, s7, $0xb8;
	[tilespmem:$0x16FA0] =	vst v63  }
0x28: {  	[bflag:$0x0] =	sbarrier.arrive $0xFFFF  }
0x29: {  	_ =	swait.ge [sflag:s6], $0x7D00  }
0x2a: {  	[sflag:s6] =	ssyncset.done $0x0  }
0x2b: {  	[sflag:s6] =	ssyncadd.s32 $0xFFFF8300  }
0x2c: {  	[tilespmem:s15], [sflag:$0x2] =	stream.indirect.gather [hbm4b:s3+s7], $0x10, s7, s7, $0xb8;
	[tilespmem:$0x16FA0] =	vst v63  }
0x2d: {  	_ = 	snop  }
0x2e: {  	[spmem:s2] =	stream.indirect.scatter.add.f32 [tilespmem:s10], [sflag:$0x4], $0x10, s21, s7, $0xb8;
	[tilespmem:$0x16FA0] =	vst v63  }
0x2f: {  	_ =	swait.ge [sflag:s8], $0x7D00  }
0x30: {  	[sflag:s8] =	ssyncset.done $0x0  }
0x31: {  	[sflag:s8] =	ssyncadd.s32 $0xFFFF8300  }
0x32: {  	_ =	swait.ge [sflag:s14], $0x7D00  }
0x33: {  	[sflag:s14] =	ssyncset.done $0x0  }
0x34: {  	[sflag:s14] =	ssyncadd.s32 $0xFFFF8300  }
0x35: {  	[tilespmem:s10], [sflag:$0x1] =	stream.indirect.gather [hbm4b:s3+s7], $0x10, s22, s7, $0xb8;
	[tilespmem:$0x16FA0] =	vst v63  }
0x36: {  	_ = 	snop  }
0x37: {  	[spmem:s2] =	stream.indirect.scatter.add.f32 [tilespmem:s15], [sflag:$0x4], $0x10, s23, s7, $0xb8;
	[tilespmem:$0x16FA0] =	vst v63  }
0x38: {  	_ =	swait.ge [sflag:s8], $0x7D00  }
0x39: {  	[sflag:s8] =	ssyncset.done $0x0  }
0x3a: {  	[sflag:s8] =	ssyncadd.s32 $0xFFFF8300  }
0x3b: {  	_ =	swait.ge [sflag:s6], $0x7D00  }
0x3c: {  	[sflag:s6] =	ssyncset.done $0x0  }
0x3d: {  	[sflag:s6] =	ssyncadd.s32 $0xFFFF8300  }
0x3e: {  	[tilespmem:s15], [sflag:$0x2] =	stream.indirect.gather [hbm4b:s3+s7], $0x10, s19, s7, $0xb8;
	[tilespmem:$0x16FA0] =	vst v63  }
0x3f: {  	_ = 	snop  }
0x40: {  	[spmem:s2] =	stream.indirect.scatter.add.f32 [tilespmem:s10], [sflag:$0x4], $0x10, s20, s7, $0xb8;
	[tilespmem:$0x16FA0] =	vst v63  }
0x41: {  	_ =	swait.ge [sflag:s8], $0x7D00  }
0x42: {  	[sflag:s8] =	ssyncset.done $0x0  }
0x43: {  	[sflag:s8] =	ssyncadd.s32 $0xFFFF8300  }
0x44: {  	_ =	swait.ge [sflag:s14], $0x7D00  }
0x45: {  	[sflag:s14] =	ssyncset.done $0x0  }
0x46: {  	[sflag:s14] =	ssyncadd.s32 $0xFFFF8300  }
0x47: {  	[tilespmem:s10], [sflag:$0x1] =	stream.indirect.gather [hbm4b:s3+s7], $0x10, s17, s7, $0xb8;
	[tilespmem:$0x16FA0] =	vst v63  }
0x48: {  	_ = 	snop  }
0x49: {  	[spmem:s2] =	stream.indirect.scatter.add.f32 [tilespmem:s15], [sflag:$0x4], $0x10, s18, s7, $0xb8;
	[tilespmem:$0x16FA0] =	vst v63  }
0x4a: {  	_ =	swait.ge [sflag:s8], $0x7D00  }
0x4b: {  	[sflag:s8] =	ssyncset.done $0x0  }
0x4c: {  	[sflag:s8] =	ssyncadd.s32 $0xFFFF8300  }
0x4d: {  	_ =	swait.ge [sflag:s6], $0x7D00  }
0x4e: {  	[sflag:s6] =	ssyncset.done $0x0  }
0x4f: {  	[sflag:s6] =	ssyncadd.s32 $0xFFFF8300  }
0x50: {  	[spmem:s2] =	stream.indirect.scatter.add.f32 [tilespmem:s10], [sflag:$0x4], $0x10, s1, s7, $0xb8;
	[tilespmem:$0x16FA0] =	vst v63  }
0x51: {  	_ =	swait.ge [sflag:s8], $0x7D00  }
0x52: {  	[sflag:s8] =	ssyncset.done $0x0  }
0x53: {  	s28 =	simm.s32 @p0 $0x1FC4;
	[sflag:s8] =	ssyncadd.s32 $0xFFFF8300  }
0x54: {  	s30 =	sadd.s32 $0xFFFFFFFF, s26;
	s29 =	simm.s32 @p0 $0x4;
	[bflag:$0x0] =	sbarrier.arrive $0xFFFF  }
0x55: {  	[hbm:s5], [sflag:s28] =	dma.local @p0 [spmem:s12], $0x410  }
0x56: {  	p2 =	sne.s32 s30, $0x0;
	_ =	swait.ge @p0 [sflag:s29], $0x410  }
.Ltmp1:
0x57: {  	s26 =	simm.s32 @!p0 $0x4;
	[sflag:s29] =	ssyncset.done @p0 $0x0;
	(pc) =	sbr.rel @!p2 .LBB2_3-.Ltmp1, $4  }
0x58: {  	[dreg:$0x8] =	wrdreg s31;
	s31 =	sor.u32 @!p0 $0x1C04, s31;
	[sflag:s29] =	ssyncadd.s32 @p0 $0xFFFFFBF0  }
0x59: {  	[hbm:s4], [sflag:s31] =	dma.local @!p0 [spmem:s11], $0x4F0  }
0x5a: {  	_ =	swait.ge @!p0 [sflag:s26], $0x4F0  }
0x5b: {  	p1 =	por $0x1, $0x1;
	s0 =	rddreg [dreg:$0x7];
	[sflag:s26] =	ssyncset.done @!p0 $0x0  }
.LBB2_4:
0x5c: {  	s1 =	rddreg [dreg:$0x5]  }
0x5d: {  	[sflag:s26] =	ssyncadd.s32 @!p0 $0xFFFFFB10;
	s13 =	rddreg [dreg:$0x4]  }
0x5e: {  	[tilespmem:s9], [sflag:$0x3] =	stream.linear.gather [hbm4b:s1+s9], $0x2710, $0x38;
	[tilespmem:$0x16FA0] =	vst v63  }
0x5f: {  	s16 =	rddreg [dreg:$0x6]  }
0x60: {  	[tilespmem:s21], [sflag:$0x2] =	stream.linear.gather [hbm4b:s16+s9], $0x2710, $0x38;
	[tilespmem:$0x16FA0] =	vst v63  }
0x61: {  	[spmem:s25], [sflag:s0] =	dma.local [hbm:s13], $0x4F0  }
0x62: {  	_ =	swait.ge [sflag:s24], $0x2710  }
0x63: {  	[sflag:s24] =	ssyncset.done $0x0  }
0x64: {  	[sflag:s24] =	ssyncadd.s32 $0xFFFFD8F0  }
0x65: {  	_ =	swait.ge [sflag:s6], $0x4F0  }
0x66: {  	[sflag:s6] =	ssyncset.done $0x0  }
0x67: {  	[sflag:s6] =	ssyncadd.s32 $0xFFFFFB10  }
0x68: {  	_ =	swait.ge [sflag:s14], $0x2710  }
0x69: {  	[sflag:s14] =	ssyncset.done $0x0  }
0x6a: {  	[sflag:s14] =	ssyncadd.s32 $0xFFFFD8F0  }
0x6b: {  	[tilespmem:s10], [sflag:$0x1] =	stream.indirect.gather [hbm4b:s3+s7], $0x10, s9, s7, $0xb8;
	[tilespmem:$0x16FA0] =	vst v63  }
0x6c: {  	[bflag:$0x0] =	sbarrier.arrive $0xFFFF  }
0x6d: {  	_ =	swait.ge [sflag:s6], $0x7D00  }
0x6e: {  	[sflag:s6] =	ssyncset.done $0x0  }
0x6f: {  	[sflag:s6] =	ssyncadd.s32 $0xFFFF8300  }
0x70: {  	[tilespmem:s15], [sflag:$0x2] =	stream.indirect.gather [hbm4b:s3+s7], $0x10, s7, s7, $0xb8;
	[tilespmem:$0x16FA0] =	vst v63  }
0x71: {  	_ = 	snop  }
0x72: {  	[spmem:s2] =	stream.indirect.scatter.add.f32 [tilespmem:s10], [sflag:$0x4], $0x10, s21, s7, $0xb8;
	[tilespmem:$0x16FA0] =	vst v63  }
0x73: {  	_ =	swait.ge [sflag:s8], $0x7D00  }
0x74: {  	[sflag:s8] =	ssyncset.done $0x0  }
0x75: {  	[sflag:s8] =	ssyncadd.s32 $0xFFFF8300  }
0x76: {  	_ =	swait.ge [sflag:s14], $0x7D00  }
0x77: {  	[sflag:s14] =	ssyncset.done $0x0  }
0x78: {  	[sflag:s14] =	ssyncadd.s32 $0xFFFF8300  }
0x79: {  	[tilespmem:s10], [sflag:$0x1] =	stream.indirect.gather [hbm4b:s3+s7], $0x10, s22, s7, $0xb8;
	[tilespmem:$0x16FA0] =	vst v63  }
0x7a: {  	_ = 	snop  }
0x7b: {  	[spmem:s2] =	stream.indirect.scatter.add.f32 [tilespmem:s15], [sflag:$0x4], $0x10, s23, s7, $0xb8;
	[tilespmem:$0x16FA0] =	vst v63  }
0x7c: {  	_ =	swait.ge [sflag:s8], $0x7D00  }
0x7d: {  	[sflag:s8] =	ssyncset.done $0x0  }
0x7e: {  	[sflag:s8] =	ssyncadd.s32 $0xFFFF8300  }
0x7f: {  	_ =	swait.ge [sflag:s6], $0x7D00  }
0x80: {  	[sflag:s6] =	ssyncset.done $0x0  }
0x81: {  	[sflag:s6] =	ssyncadd.s32 $0xFFFF8300  }
0x82: {  	[tilespmem:s15], [sflag:$0x2] =	stream.indirect.gather [hbm4b:s3+s7], $0x10, s19, s7, $0xb8;
	[tilespmem:$0x16FA0] =	vst v63  }
0x83: {  	_ = 	snop  }
0x84: {  	[spmem:s2] =	stream.indirect.scatter.add.f32 [tilespmem:s10], [sflag:$0x4], $0x10, s20, s7, $0xb8;
	[tilespmem:$0x16FA0] =	vst v63  }
0x85: {  	_ =	swait.ge [sflag:s8], $0x7D00  }
0x86: {  	[sflag:s8] =	ssyncset.done $0x0  }
0x87: {  	[sflag:s8] =	ssyncadd.s32 $0xFFFF8300  }
0x88: {  	_ =	swait.ge [sflag:s14], $0x7D00  }
0x89: {  	[sflag:s14] =	ssyncset.done $0x0  }
0x8a: {  	[sflag:s14] =	ssyncadd.s32 $0xFFFF8300  }
0x8b: {  	[tilespmem:s10], [sflag:$0x1] =	stream.indirect.gather [hbm4b:s3+s7], $0x10, s17, s7, $0xb8;
	[tilespmem:$0x16FA0] =	vst v63  }
0x8c: {  	_ = 	snop  }
0x8d: {  	[spmem:s2] =	stream.indirect.scatter.add.f32 [tilespmem:s15], [sflag:$0x4], $0x10, s18, s7, $0xb8;
	[tilespmem:$0x16FA0] =	vst v63  }
0x8e: {  	_ =	swait.ge [sflag:s8], $0x7D00  }
0x8f: {  	[sflag:s8] =	ssyncset.done $0x0  }
0x90: {  	[sflag:s8] =	ssyncadd.s32 $0xFFFF8300  }
0x91: {  	_ =	swait.ge [sflag:s6], $0x7D00  }
0x92: {  	[sflag:s6] =	ssyncset.done $0x0  }
0x93: {  	s1 =	simm.s32 $0x4650;
	[sflag:s6] =	ssyncadd.s32 $0xFFFF8300  }
0x94: {  	[spmem:s2] =	stream.indirect.scatter.add.f32 [tilespmem:s10], [sflag:$0x4], $0x10, s1, s7, $0xb8;
	[tilespmem:$0x16FA0] =	vst v63  }
0x95: {  	_ =	swait.ge [sflag:s8], $0x7D00  }
0x96: {  	[sflag:s8] =	ssyncset.done $0x0  }
0x97: {  	[sflag:s8] =	ssyncadd.s32 $0xFFFF8300  }
0x98: {  	s30 =	sadd.s32 $0xFFFFFFFF, s30;
	[bflag:$0x0] =	sbarrier.arrive $0xFFFF  }
0x99: {  	[hbm:s5], [sflag:s28] =	dma.local @p0 [spmem:s12], $0x410  }
0x9a: {  	p2 =	sne.s32 s30, $0x0;
	_ =	swait.ge @p0 [sflag:s29], $0x410  }
.Ltmp2:
0x9b: {  	[sflag:s29] =	ssyncset.done @p0 $0x0;
	(pc) =	sbr.rel @p2 .LBB2_4-.Ltmp2, $4  }
0x9c: {  	[sflag:s29] =	ssyncadd.s32 @p0 $0xFFFFFBF0  }
0x9d: {  	[hbm:s4], [sflag:s31] =	dma.local @!p0 [spmem:s11], $0x4F0  }
0x9e: {  	_ =	swait.ge @!p0 [sflag:s26], $0x4F0  }
0x9f: {  	s0 =	rddreg [dreg:$0x7];
	[sflag:s26] =	ssyncset.done @!p0 $0x0  }
0xa0: {  	s16 =	rddreg [dreg:$0x3]  }
0xa1: {  	s29 =	simm.s32 $0x4650;
	s28 =	stileid.u32;
	s31 =	rddreg [dreg:$0x8]  }
.LBB2_6:
0xa2: {  	s1 =	rddreg [dreg:$0x5];
	p1 =	por p0, !p1  }
0xa3: {  	s30 =	rddreg [dreg:$0x6];
	[sflag:s26] =	ssyncadd.s32 @!p1 $0xFFFFFB10  }
0xa4: {  	[tilespmem:s9], [sflag:$0x3] =	stream.linear.gather [hbm4b:s1+s9], $0x2710, $0x38;
	[tilespmem:$0x16FA0] =	vst v63  }
0xa5: {  	s13 =	rddreg [dreg:$0x4]  }
0xa6: {  	[tilespmem:s21], [sflag:$0x2] =	stream.linear.gather [hbm4b:s30+s9], $0x2710, $0x38;
	[tilespmem:$0x16FA0] =	vst v63  }
0xa7: {  	[spmem:s25], [sflag:s0] =	dma.local [hbm:s13], $0x4F0  }
0xa8: {  	_ =	swait.ge [sflag:s24], $0x2710  }
0xa9: {  	[sflag:s24] =	ssyncset.done $0x0  }
0xaa: {  	[sflag:s24] =	ssyncadd.s32 $0xFFFFD8F0  }
0xab: {  	_ =	swait.ge [sflag:s6], $0x4F0  }
0xac: {  	[sflag:s6] =	ssyncset.done $0x0  }
0xad: {  	[sflag:s6] =	ssyncadd.s32 $0xFFFFFB10  }
0xae: {  	_ =	swait.ge [sflag:s14], $0x2710  }
0xaf: {  	[sflag:s14] =	ssyncset.done $0x0  }
0xb0: {  	[sflag:s14] =	ssyncadd.s32 $0xFFFFD8F0  }
0xb1: {  	[tilespmem:s10], [sflag:$0x1] =	stream.indirect.gather [hbm4b:s3+s7], $0x10, s9, s7, $0xb8;
	[tilespmem:$0x16FA0] =	vst v63  }
0xb2: {  	[bflag:$0x0] =	sbarrier.arrive $0xFFFF  }
0xb3: {  	_ =	swait.ge [sflag:s6], $0x7D00  }
0xb4: {  	[sflag:s6] =	ssyncset.done $0x0  }
0xb5: {  	[sflag:s6] =	ssyncadd.s32 $0xFFFF8300  }
0xb6: {  	[tilespmem:s15], [sflag:$0x2] =	stream.indirect.gather [hbm4b:s3+s7], $0x10, s7, s7, $0xb8;
	[tilespmem:$0x16FA0] =	vst v63  }
0xb7: {  	_ = 	snop  }
0xb8: {  	[spmem:s2] =	stream.indirect.scatter.add.f32 [tilespmem:s10], [sflag:$0x4], $0x10, s21, s7, $0xb8;
	[tilespmem:$0x16FA0] =	vst v63  }
0xb9: {  	_ =	swait.ge [sflag:s8], $0x7D00  }
0xba: {  	[sflag:s8] =	ssyncset.done $0x0  }
0xbb: {  	[sflag:s8] =	ssyncadd.s32 $0xFFFF8300  }
0xbc: {  	_ =	swait.ge [sflag:s14], $0x7D00  }
0xbd: {  	[sflag:s14] =	ssyncset.done $0x0  }
0xbe: {  	[sflag:s14] =	ssyncadd.s32 $0xFFFF8300  }
0xbf: {  	[tilespmem:s10], [sflag:$0x1] =	stream.indirect.gather [hbm4b:s3+s7], $0x10, s22, s7, $0xb8;
	[tilespmem:$0x16FA0] =	vst v63  }
0xc0: {  	_ = 	snop  }
0xc1: {  	[spmem:s2] =	stream.indirect.scatter.add.f32 [tilespmem:s15], [sflag:$0x4], $0x10, s23, s7, $0xb8;
	[tilespmem:$0x16FA0] =	vst v63  }
0xc2: {  	_ =	swait.ge [sflag:s8], $0x7D00  }
0xc3: {  	[sflag:s8] =	ssyncset.done $0x0  }
0xc4: {  	[sflag:s8] =	ssyncadd.s32 $0xFFFF8300  }
0xc5: {  	_ =	swait.ge [sflag:s6], $0x7D00  }
0xc6: {  	[sflag:s6] =	ssyncset.done $0x0  }
0xc7: {  	[sflag:s6] =	ssyncadd.s32 $0xFFFF8300  }
0xc8: {  	[tilespmem:s15], [sflag:$0x2] =	stream.indirect.gather [hbm4b:s3+s7], $0x10, s19, s7, $0xb8;
	[tilespmem:$0x16FA0] =	vst v63  }
0xc9: {  	_ = 	snop  }
0xca: {  	[spmem:s2] =	stream.indirect.scatter.add.f32 [tilespmem:s10], [sflag:$0x4], $0x10, s20, s7, $0xb8;
	[tilespmem:$0x16FA0] =	vst v63  }
0xcb: {  	_ =	swait.ge [sflag:s8], $0x7D00  }
0xcc: {  	[sflag:s8] =	ssyncset.done $0x0  }
0xcd: {  	[sflag:s8] =	ssyncadd.s32 $0xFFFF8300  }
0xce: {  	_ =	swait.ge [sflag:s14], $0x7D00  }
0xcf: {  	[sflag:s14] =	ssyncset.done $0x0  }
0xd0: {  	[sflag:s14] =	ssyncadd.s32 $0xFFFF8300  }
0xd1: {  	[tilespmem:s10], [sflag:$0x1] =	stream.indirect.gather [hbm4b:s3+s7], $0x10, s17, s7, $0xb8;
	[tilespmem:$0x16FA0] =	vst v63  }
0xd2: {  	_ = 	snop  }
0xd3: {  	[spmem:s2] =	stream.indirect.scatter.add.f32 [tilespmem:s15], [sflag:$0x4], $0x10, s18, s7, $0xb8;
	[tilespmem:$0x16FA0] =	vst v63  }
0xd4: {  	_ =	swait.ge [sflag:s8], $0x7D00  }
0xd5: {  	[sflag:s8] =	ssyncset.done $0x0  }
0xd6: {  	[sflag:s8] =	ssyncadd.s32 $0xFFFF8300  }
0xd7: {  	_ =	swait.ge [sflag:s6], $0x7D00  }
0xd8: {  	[sflag:s6] =	ssyncset.done $0x0  }
0xd9: {  	[sflag:s6] =	ssyncadd.s32 $0xFFFF8300  }
0xda: {  	[spmem:s2] =	stream.indirect.scatter.add.f32 [tilespmem:s10], [sflag:$0x4], $0x10, s29, s7, $0xb8;
	[tilespmem:$0x16FA0] =	vst v63  }
0xdb: {  	_ =	swait.ge [sflag:s8], $0x7D00  }
0xdc: {  	[sflag:s8] =	ssyncset.done $0x0  }
0xdd: {  	[sflag:s8] =	ssyncadd.s32 $0xFFFF8300  }
0xde: {  	s0 =	simm.s32 @p0 $0x1FC4;
	[bflag:$0x0] =	sbarrier.arrive $0xFFFF  }
0xdf: {  	[hbm:s5], [sflag:s0] =	dma.local @p0 [spmem:s12], $0x410  }
0xe0: {  	s0 =	simm.s32 @p0 $0x4  }
0xe1: {  	_ =	swait.ge @p0 [sflag:s0], $0x410  }
0xe2: {  	[sflag:s0] =	ssyncset.done @p0 $0x0  }
0xe3: {  	[sflag:s0] =	ssyncadd.s32 @p0 $0xFFFFFBF0;
	s0 =	sor.u32 @!p0 $0x1C04, s31  }
0xe4: {  	[hbm:s4], [sflag:s0] =	dma.local @!p0 [spmem:s11], $0x4F0  }
0xe5: {  	s0 =	simm.s32 @!p0 $0x4  }
0xe6: {  	_ =	swait.ge @!p0 [sflag:s0], $0x4F0  }
0xe7: {  	[sflag:s0] =	ssyncset.done @!p0 $0x0  }
0xe8: {  	[sflag:s0] =	ssyncadd.s32 @!p0 $0xFFFFFB10  }
0xe9: {  	_ =	sfence.sel $0x180000  }
0xea: {  	[bflag:$0x0] =	sbarrier.arrive $0xFFFF  }
0xeb: {  	p0 =	sne.s32 s28, $0x0;
	_ =	strace $0x90000047  }
0xec: {  	s0 =	sadd.s32 @!p0 $0x100000, s16;
	[bflag:$0x2] =	sbarrier.arrive $0xFFFF  }
0xed: {  	[sflag:s0] =	ssyncadd.tile.s32 @!p0 $0x1;
	_ =	shalt  }
.LBB2_1:
.Ltmp3:
0xee: {  	(pc) =	sbr.rel .LBB2_6-.Ltmp3, $2  }
0xef: {  	_ =	sdelay $0x2  }
0xf0: {  	s29 =	simm.s32 $0x4650  }
.LBB2_3:
.Ltmp4:
0xf1: {  	(pc) =	sbr.rel .LBB2_6-.Ltmp4, $3  }
0xf2: {  	_ =	sdelay $0x1  }
0xf3: {  	s16 =	rddreg [dreg:$0x3]  }
0xf4: {  	s29 =	simm.s32 $0x4650;
	s28 =	stileid.u32;
	s31 =	rddreg [dreg:$0x8]  }
.Lfunc_end2:
_tile_overlayer_lowered:
.L_overlay_start_2:
0xf5: {  	(tag) =	ssettag $0x2  }
0xf6: {  	s0 =	rddreg [dreg:$0x0];
	s2 =	stileid.u32  }
0xf7: {  	s1 =	rddreg [dreg:$0x1];
	p0 =	sne.s32 s2, $0x0  }
0xf8: {  	s3 =	rddreg [dreg:$0x2];
	[bflag:$0x3] =	sbarrier.arrive $0xFFFF;
	s2 =	simm.s32 @!p0 $0x1C04  }
0xf9: {  	[timem:s3], [sflag:s2] =	dma.local @!p0 [hbm:s0], s1  }
0xfa: {  	s0 =	simm.s32 @!p0 $0x4  }
0xfb: {  	_ =	swait.ge @!p0 [sflag:s0], s1  }
0xfc: {  	s1 =	ssub.s32 @!p0 $0x0, s1;
	[sflag:s0] =	ssyncset.done @!p0 $0x0  }
0xfd: {  	[sflag:s0] =	ssyncadd.s32 @!p0 s1  }
0xfe: {  	[bflag:$0x3] =	sbarrier.arrive $0xFFFF  }
0xff: {  	_ =	shalt  }

// kernel: kernel.9.cloned.1.call-start
scs
__scs_entry_jumppad:
0x0: {  	(pc) =	sbr.rel $0x88, $3  }
0x1: {  	(tag) =	ssettag $0x0;
	lr =	simm.s32 $0x1  }
0x2: {  	[smem:$0x3F99] =	sst lr;
	_ =	strace $0xD0000000  }
0x3: {  	_ = 	snop  }
0x4: {  	_ = 	snop  }
0x5: {  	_ = 	snop  }
0x6: {  	_ = 	snop  }
0x7: {  	_ = 	snop  }
__scs_overlays_trampoline_lowered:
0x8: {  	[smem:$0x3FA8] =	sst s0  }
0x9: {  	[smem:$0x3FA9] =	sst s1  }
0xa: {  	[smem:$0x3FAA] =	sst s2  }
0xb: {  	[smem:$0x3FAB] =	sst s3  }
0xc: {  	[smem:$0x3FAC] =	sst s4  }
0xd: {  	[smem:$0x3FAD] =	sst s5  }
0xe: {  	[smem:$0x3FAE] =	sst s6  }
0xf: {  	[smem:$0x3FAF] =	sst s7  }
0x10: {  	[smem:$0x3FB0] =	sst s8  }
0x11: {  	[smem:$0x3FB1] =	sst s9;
	s0 =	simm.s32 @!p0 $0x0  }
0x12: {  	s1 =	sld [smem:$0x3F97];
	s0 =	simm.s32 @p0 $0x1  }
0x13: {  	[smem:$0x3FB2] =	sst s0;
	s0 =	simm.s32 @!p1 $0x0  }
0x14: {  	s2 =	sld [smem:$0x3F96];
	s0 =	simm.s32 @p1 $0x1  }
0x15: {  	[smem:$0x3FB3] =	sst s0;
	s0 =	simm.s32 @!p2 $0x0  }
0x16: {  	s3 =	sld [smem:$0x3FDB];
	s0 =	simm.s32 @p2 $0x1  }
0x17: {  	s4 =	simm.s32 $0x1BF5;
	[smem:$0x3FB5] =	sst s0  }
0x18: {  	s0 =	sld [smem:$0x3F98];
	_ =	swait.ge [sflag:s4], $0x0  }
0x19: {  	s7 =	sld [smem:$0x3F99]  }
0x1a: {  	s8 =	sadd.s32 $0xFFFFE003, lr  }
0x1b: {  	s9 =	sadd.s32 $0xFFFFFEF7, lr;
	s5 =	simm.s32 $0xFFFFFFFF;
	p2 =	slt.u32 s8, $0xFFFFF086  }
0x1c: {  	p1 =	slt.u32 s9, $0xF7A;
	s5 =	simm.s32 @!p2 $0x0  }
0x1d: {  	s5 =	simm.s32 @p1 $0x1;
	p0 =	seq.s32 s7, s2  }
0x1e: {  	s7 =	smul.u32 @!p0 $0xF7A, s2;
	p2 =	seq.s32 @!p0 s5, $0x0  }
0x1f: {  	s9 =	smul.u32 $0xF7A, s1;
	s8 =	simm.s32 @!p0 $0x1BF5;
	p2 =	por !p2, p0  }
0x20: {  	[sflag:s8] =	ssyncset.s32 @!p0 $0xFFFFF086;
	s6 =	sadd.s32 @!p0 s3, s7;
	s7 =	simm.s32 @!p0 $0x108  }
0x21: {  	s3 =	sadd.s32 s3, s9;
	s6 =	sadd.s32 @!p0 $0x88, s6;
	s7 =	simm.s32 @p2 $0x1082  }
0x22: {  	[simem:s7], [sflag:s8] =	dma.local @!p0 [hbm:s6], $0xF7A  }
0x23: {  	s9 =	sor.u32 $0xD0000000, s2;
	s6 =	simm.s32 $0x108;
	_ =	swait.ge @!p0 [sflag:s8], $0x0  }
0x24: {  	s3 =	sadd.s32 $0x88, s3;
	s6 =	simm.s32 @!p1 $0x1082;
	[sflag:s4] =	ssyncset.s32 $0xFFFFF086  }
0x25: {  	[simem:s6], [sflag:s4] =	dma.local [hbm:s3], $0xF7A  }
0x26: {  	[smem:$0x3F99] =	sst s1;
	(tag) =	ssettag s2;
	_ =	strace s9  }
0x27: {  	s1 =	sld [smem:$0x3FA9]  }
0x28: {  	s2 =	sld [smem:$0x3FAA]  }
0x29: {  	s4 =	sld [smem:$0x3FAC]  }
0x2a: {  	p0 =	seq.s32 s5, $0x0;
	s5 =	sld [smem:$0x3FAD]  }
0x2b: {  	s6 =	sld [smem:$0x3FAE]  }
0x2c: {  	s7 =	sld [smem:$0x3FAF]  }
0x2d: {  	s3 =	simm.s32 $0x108;
	s8 =	sld [smem:$0x3FB0]  }
0x2e: {  	s3 =	simm.s32 @!p0 $0x1082;
	s9 =	sld [smem:$0x3FB1]  }
0x2f: {  	lr =	sadd.s32 s0, s3;
	s0 =	sld [smem:$0x3FA8]  }
0x30: {  	s3 =	sld [smem:$0x3FAB]  }
0x31: {  	[smem:$0x3FB4] =	sst s10  }
0x32: {  	s10 =	sld [smem:$0x3FB2];
	_ =	sdelay $0x3  }
0x33: {  	p0 =	seq.s32 s10, $0x1;
	s10 =	sld [smem:$0x3FB4];
	_ =	sdelay $0x3  }
0x34: {  	[smem:$0x3FB4] =	sst s10  }
0x35: {  	s10 =	sld [smem:$0x3FB3];
	_ =	sdelay $0x3  }
0x36: {  	p1 =	seq.s32 s10, $0x1;
	s10 =	sld [smem:$0x3FB4];
	_ =	sdelay $0x3  }
0x37: {  	[smem:$0x3FB4] =	sst s10  }
0x38: {  	s10 =	sld [smem:$0x3FB5]  }
0x39: {  	_ = 	snop;
	(pc) =	sbr.ind lr, $3  }
0x3a: {  	_ = 	snop  }
0x3b: {  	_ = 	snop  }
0x3c: {  	p2 =	seq.s32 s10, $0x1;
	s10 =	sld [smem:$0x3FB4]  }
0x3d: {  	_ =	shalt  }
0x3e: {  	_ =	shalt  }
0x3f: {  	_ =	shalt  }
0x40: {  	_ =	shalt  }
0x41: {  	_ =	shalt  }
0x42: {  	_ =	shalt  }
0x43: {  	_ =	shalt  }
0x44: {  	_ =	shalt  }
0x45: {  	_ =	shalt  }
0x46: {  	_ =	shalt  }
0x47: {  	_ =	shalt  }
0x48: {  	_ =	shalt  }
0x49: {  	_ =	shalt  }
0x4a: {  	_ =	shalt  }
0x4b: {  	_ =	shalt  }
0x4c: {  	_ =	shalt  }
0x4d: {  	_ =	shalt  }
0x4e: {  	_ =	shalt  }
0x4f: {  	_ =	shalt  }
0x50: {  	_ =	shalt  }
0x51: {  	_ =	shalt  }
0x52: {  	_ =	shalt  }
0x53: {  	_ =	shalt  }
0x54: {  	_ =	shalt  }
0x55: {  	_ =	shalt  }
0x56: {  	_ =	shalt  }
0x57: {  	_ =	shalt  }
0x58: {  	_ =	shalt  }
0x59: {  	_ =	shalt  }
0x5a: {  	_ =	shalt  }
0x5b: {  	_ =	shalt  }
0x5c: {  	_ =	shalt  }
0x5d: {  	_ =	shalt  }
0x5e: {  	_ =	shalt  }
0x5f: {  	_ =	shalt  }
0x60: {  	_ =	shalt  }
0x61: {  	_ =	shalt  }
0x62: {  	_ =	shalt  }
0x63: {  	_ =	shalt  }
0x64: {  	_ =	shalt  }
0x65: {  	_ =	shalt  }
0x66: {  	_ =	shalt  }
0x67: {  	_ =	shalt  }
0x68: {  	_ =	shalt  }
0x69: {  	_ =	shalt  }
0x6a: {  	_ =	shalt  }
0x6b: {  	_ =	shalt  }
0x6c: {  	_ =	shalt  }
0x6d: {  	_ =	shalt  }
0x6e: {  	_ =	shalt  }
0x6f: {  	_ =	shalt  }
0x70: {  	_ =	shalt  }
0x71: {  	_ =	shalt  }
0x72: {  	_ =	shalt  }
0x73: {  	_ =	shalt  }
0x74: {  	_ =	shalt  }
0x75: {  	_ =	shalt  }
0x76: {  	_ =	shalt  }
0x77: {  	_ =	shalt  }
0x78: {  	_ =	shalt  }
0x79: {  	_ =	shalt  }
0x7a: {  	_ =	shalt  }
0x7b: {  	_ =	shalt  }
0x7c: {  	_ =	shalt  }
0x7d: {  	_ =	shalt  }
0x7e: {  	_ =	shalt  }
0x7f: {  	_ =	shalt  }
0x80: {  	_ =	shalt  }
0x81: {  	_ =	shalt  }
0x82: {  	_ =	shalt  }
0x83: {  	_ =	shalt  }
0x84: {  	_ =	shalt  }
0x85: {  	_ =	shalt  }
0x86: {  	_ =	shalt  }
0x87: {  	_ =	shalt  }
.Lfunc_end0:
.L_simem_size_0:
called_computation.1_lowered:
.L_overlay_start_0:
0x88: {  	s2 =	sld [smem:$0x3FD9]  }
0x89: {  	s3 =	sld [smem:$0x3FFE];
	_ =	sdelay $0x1  }
0x8a: {  	s1 =	srdreg.scid  }
0x8b: {  	s0 =	sand.u32 $0x1, s1  }
0x8c: {  	s16 =	sshll.u32 s0, $0xA;
	s2 =	sadd.s32 s3, s2  }
0x8d: {  	s2 =	sadd.s32 s2, s16  }
0x8e: {  	[smem:$0x3FC0] =	sst s2  }
0x8f: {  	_ = 	snop  }
0x90: {  	(tm) =	ssettm $0x1  }
0x91: {  	s17 =	sld [smem:$0x3FFB];
	_ =	sdelay $0x3  }
0x92: {  	_ =	strace s17  }
0x93: {  	s2 =	sld [smem:$0x3FFC];
	_ =	sdelay $0x3  }
0x94: {  	_ =	strace s2  }
0x95: {  	s2 =	sld [smem:$0x3FFD];
	_ =	sdelay $0x3  }
0x96: {  	_ =	strace s2  }
0x97: {  	_ =	strace $0x8FFFFFFF  }
0x98: {  	s18 =	sld [smem:$0x3FDB];
	_ =	sdelay $0x1  }
0x99: {  	s19 =	simm.s32 $_scs_section_size  }
0x9a: {  	s4 =	simm.s32 $_size__tile_overlayer_lowered;
	s5 =	simm.s32 $_tile_overlayer_lowered  }
0x9b: {  	s22 =	simm.s32 $0x1BFF;
	s21 =	sshll.u32 s5, $0x1;
	s2 =	sadd.s32 s19, s18  }
0x9c: {  	s6 =	simm.s32 $0x0;
	s20 =	sshll.u32 s4, $0x1;
	s4 =	sadd.s32 s21, s2  }
0x9d: {  	[timem:s6], [sflag:s22] =	dma.local [hbm:s4], s20  }
0x9e: {  	_ =	swait.ge [sflag:s22], s20  }
0x9f: {  	s3 =	ssub.s32 $0x0, s20;
	[sflag:s22] =	ssyncset.done $0x0  }
0xa0: {  	[sflag:s22] =	ssyncadd.s32 s3;
	_ =	sdelay $0x1  }
0xa1: {  	s23 =	simm.s32 $0x1B8B  }
0xa2: {  	_ =	swait.ge [sflag:s23], $0x1  }
0xa3: {  	[sflag:s23] =	ssyncset.done $0x0  }
0xa4: {  	s25 =	simm.s32 $0x1B8E;
	s24 =	sld [smem:$0x3FFE];
	[sflag:s23] =	ssyncadd.s32 $0xFFFFFFFF  }
0xa5: {  	s26 =	simm.s32 $execute0_lowered;
	[smem:$0x3FD2] =	sst s25  }
0xa6: {  	s4 =	sshll.u32 s26, $0x1;
	_ =	strace $0x80000049;
	[dreg:$0x1] =	wrdreg $0xFFFFFFFF  }
0xa7: {  	s28 =	simm.s32 $_size_execute0_lowered;
	s2 =	sadd.s32 s2, s4;
	[dreg:$0x0] =	wrdreg $0x0  }
0xa8: {  	s4 =	sshll.u32 s28, $0x1;
	[dreg:$0x2] =	wrdreg s2  }
0xa9: {  	[dreg:$0x3] =	wrdreg s4  }
0xaa: {  	[dreg:$0x4] =	wrdreg $0xC0  }
0xab: {  	_ =	task [dreg:s6], $0x5FFFF  }
0xac: {  	[dreg:$0x1] =	wrdreg $0xFFFFFFFF  }
0xad: {  	[dreg:$0x0] =	wrdreg $0x60  }
0xae: {  	[dreg:$0x2] =	wrdreg s24  }
0xaf: {  	[dreg:$0x3] =	wrdreg $0x16FA00  }
0xb0: {  	[dreg:$0x4] =	wrdreg $0x9  }
0xb1: {  	_ =	task.clear_ibuf [dreg:s6], $0x5FFFF;
	_ =	strace $0x90000049  }
0xb2: {  	s29 =	simm.s32 $0x9;
	_ =	strace $0x8000004B  }
0xb3: {  	_ =	swait.ge [sflag:s29], $0x1  }
0xb4: {  	[sflag:s29] =	ssyncadd.s32 $0xFFFFFFFF  }
0xb5: {  	_ =	strace $0x9000004B  }
0xb6: {  	_ =	sfence  }
0xb7: {  	s30 =	sld [smem:$0x0];
	_ =	sdelay $0x2  }
0xb8: {  	s31 =	sshll.u32 s1, $0xD;
	s1 =	sshrl.u32 s1, $0x2  }
0xb9: {  	s3 =	sand.u32 $0x4000, s31;
	s1 =	sadd.s32 s1, s30  }
0xba: {  	s0 =	sor.u32 s3, s0;
	s1 =	sshll.u32 s1, $0x11  }
0xbb: {  	s0 =	sor.u32 s1, s0  }
0xbc: {  	s0 =	sadd.s32 $0x8F2B, s0  }
0xbd: {  	[sflag:s0] =	ssyncadd.remote.s32 $0x1  }
0xbe: {  	_ =	sfence.sel $0xFFFF  }
0xbf: {  	[dreg:$0x0] =	wrdreg $0xFFFFFFFF;
	(pc) =	sbr.abs _section_cstart, $3  }
0xc0: {  	[dreg:$0x1] =	wrdreg $0xFFFFFFFF  }
0xc1: {  	_ =	task.clear_ibuf [dreg:s6], $0x2FFFF;
	_ =	strace $0x9FFFFFFF  }
0xc2: {  	(tm) =	ssettm $0x7FFFFFFF  }
0xc3: {  	_ =	shalt  }
tec
execute0_lowered:
.L_overlay_start_1:
0x0: {  	(tag) =	ssettag $0x1  }
0x1: {  	s0 =	rddreg [dreg:$0x0];
	s1 =	srdreg.scid  }
0x2: {  	s2 =	rddreg [dreg:$0x1];
	s14 =	stileid.u32;
	s3 =	simm.s32 $0x0  }
0x3: {  	s28 =	simm.s32 $0x5;
	s29 =	simm.s32 $0x3;
	s30 =	simm.s32 $0x1  }
0x4: {  	s31 =	simm.s32 $0x2;
	s1 =	sand.u32 $0x1, s1;
	s9 =	smul.u32 $0x2780, s14  }
0x5: {  	[smem:$0x7FF] =	sst s3;
	s11 =	sadd.s32 $0x2E200, s0;
	s12 =	sadd.s32 $0x24400, s0  }
0x6: {  	s8 =	sshll.u32 s14, $0x6;
	s23 =	sadd.s32 $0x1A010, s0;
	s24 =	sadd.s32 $0x1EE30, s0  }
0x7: {  	p0 =	seq.s32 s14, $0xF;
	s4 =	sshll.u32 s1, $0x4;
	_ =	strace $0x8000004A  }
0x8: {  	s20 =	ssub.s32 $0x2, s1;
	s1 =	smul.u32 $0x27100, s1;
	[dreg:$0x7] =	wrdreg s23  }
0x9: {  	s8 =	sor.u32 $0x1C01, s8;
	[dreg:$0x8] =	wrdreg s24;
	s23 =	simm.s32 $0xCB20  }
0xa: {  	s4 =	sor.u32 s14, s4;
	s5 =	sshrl.u32 s9, $0x3;
	s7 =	sshrl.u32 s20, $0x1  }
0xb: {  	s14 =	simm.s32 $0x4650;
	s4 =	smul.u32 $0x4E2, s4;
	s10 =	sadd.s32 s5, s0  }
0xc: {  	s13 =	ssub.s32 s20, s7;
	s7 =	sadd.s32 s9, s2;
	s9 =	sadd.s32 s9, s1  }
0xd: {  	s1 =	sshrl.u32 s1, $0x3;
	s15 =	sadd.s32 $0x15600, s10;
	s21 =	sadd.s32 $0x1A420, s10  }
0xe: {  	s9 =	sshrl.u32 s9, $0x3;
	s10 =	sadd.s32 $0x1F400, s10;
	s25 =	sadd.s32 $0x4A10, s1  }
0xf: {  	s17 =	sadd.s32 s12, s1;
	s20 =	smax.u32 s13, $0x1;
	[dreg:$0x3] =	wrdreg s15  }
0x10: {  	s1 =	simm.s32 $0x2EE0;
	s13 =	simm.s32 $0x3E80;
	[dreg:$0x4] =	wrdreg s21  }
0x11: {  	s6 =	sadd.s32 s4, s0;
	s4 =	sadd.s32 $0x15000, s0;
	[dreg:$0x5] =	wrdreg s10  }
0x12: {  	s22 =	sadd.s32 s12, s9;
	s0 =	sadd.s32 $0x23E10, s0;
	s26 =	sadd.s32 s12, s25  }
0x13: {  	s18 =	sadd.s32 s11, s9;
	s19 =	sadd.s32 s11, s25;
	s21 =	simm.s32 $0x2710  }
.Ltmp0:
0x14: {  	s10 =	simm.s32 $0x1770;
	s11 =	simm.s32 $0x36B0;
	(pc) =	sbr.rel .LBB2_1-.Ltmp0, $4  }
0x15: {  	s12 =	simm.s32 $0x1F40;
	s15 =	simm.s32 $0x0;
	[dreg:$0x6] =	wrdreg s22  }
0x16: {  	s5 =	sadd.s32 $0xB200, s6;
	s6 =	sadd.s32 $0x1400, s6;
	[dreg:$0x9] =	wrdreg s0  }
0x17: {  	[dreg:$0xa] =	wrdreg s26;
	s0 =	sadd.s32 $0x25080, s2;
	s22 =	simm.s32 $0x4E20  }
0x18: {  	s26 =	simm.s32 $0x4;
	s25 =	sshrl.u32 @p0 s0, $0x3;
	s0 =	simm.s32 $0x7D0  }
.LBB2_7:
0x19: {  	v1 =	vld [tilespmem:s16+$0x4E20];
	_ =	sdelay $0x1  }
0x1a: {  	v2 =	vld [tilespmem:s16+$0x14820];
	_ =	sdelay $0x2  }
0x1b: {  	v0 =	vadd.f32 v0, v1;
	_ =	sdelay $0x1  }
0x1c: {  	v0 =	vadd.f32 v2, v0;
	_ =	sdelay $0x1  }
0x1d: {  	v0 =	vmax.f32 v0, $0.0e+00  }
0x1e: {  	s9 =	rddreg [dreg:$0xa];
	[tilespmem:s16+$0x4E20] =	vst v0  }
0x1f: {  	[hbm4b:s9+s3] =	stream.linear.scatter [tilespmem:s22], [sflag:$0x5], $0x2080, $0x38;
	[tilespmem:$0x19720] =	vst v63  }
0x20: {  	_ =	swait.ge [sflag:s28], $0x2080  }
0x21: {  	[sflag:s28] =	ssyncset.done $0x0  }
0x22: {  	[sflag:s28] =	ssyncadd.s32 $0xFFFFDF80  }
.LBB2_8:
0x23: {  	_ =	swait.ge [sflag:s29], $0x2710  }
0x24: {  	[sflag:s29] =	ssyncset.done $0x0  }
0x25: {  	[sflag:s29] =	ssyncadd.s32 $0xFFFFD8F0  }
0x26: {  	_ =	swait.ge [sflag:s30], $0x4F0  }
0x27: {  	[sflag:s30] =	ssyncset.done $0x0  }
0x28: {  	[sflag:s30] =	ssyncadd.s32 $0xFFFFFB10  }
0x29: {  	_ =	swait.ge [sflag:s31], $0x2710  }
0x2a: {  	[sflag:s31] =	ssyncset.done $0x0  }
0x2b: {  	[sflag:s31] =	ssyncadd.s32 $0xFFFFD8F0  }
0x2c: {  	[bflag:$0x0] =	sbarrier.arrive $0xFFFF  }
0x2d: {  	[tilespmem:s22], [sflag:$0x1] =	stream.indirect.gather [hbm4b:s17+s0], $0x10, s3, s0, $0xb8;
	[tilespmem:$0x19720] =	vst v63  }
0x2e: {  	_ =	swait.ge [sflag:s30], $0x7D00  }
0x2f: {  	[sflag:s30] =	ssyncset.done $0x0  }
0x30: {  	[sflag:s30] =	ssyncadd.s32 $0xFFFF8300  }
0x31: {  	[tilespmem:s23], [sflag:$0x2] =	stream.indirect.gather [hbm4b:s17+s0], $0x10, s0, s0, $0xb8;
	[tilespmem:$0x19720] =	vst v63  }
0x32: {  	_ = 	snop  }
0x33: {  	[spmem:s2] =	stream.indirect.scatter.add.f32 [tilespmem:s22], [sflag:$0x5], $0x10, s21, s0, $0xb8;
	[tilespmem:$0x19720] =	vst v63  }
0x34: {  	_ =	swait.ge [sflag:s28], $0x7D00  }
0x35: {  	[sflag:s28] =	ssyncset.done $0x0  }
0x36: {  	[sflag:s28] =	ssyncadd.s32 $0xFFFF8300  }
0x37: {  	_ =	swait.ge [sflag:s31], $0x7D00  }
0x38: {  	[sflag:s31] =	ssyncset.done $0x0  }
0x39: {  	s9 =	simm.s32 $0xFA0;
	[sflag:s31] =	ssyncadd.s32 $0xFFFF8300  }
0x3a: {  	[tilespmem:s22], [sflag:$0x1] =	stream.indirect.gather [hbm4b:s17+s0], $0x10, s9, s0, $0xb8;
	[tilespmem:$0x19720] =	vst v63  }
0x3b: {  	_ = 	snop  }
0x3c: {  	[spmem:s2] =	stream.indirect.scatter.add.f32 [tilespmem:s23], [sflag:$0x5], $0x10, s1, s0, $0xb8;
	[tilespmem:$0x19720] =	vst v63  }
0x3d: {  	_ =	swait.ge [sflag:s28], $0x7D00  }
0x3e: {  	[sflag:s28] =	ssyncset.done $0x0  }
0x3f: {  	[sflag:s28] =	ssyncadd.s32 $0xFFFF8300  }
0x40: {  	_ =	swait.ge [sflag:s30], $0x7D00  }
0x41: {  	[sflag:s30] =	ssyncset.done $0x0  }
0x42: {  	[sflag:s30] =	ssyncadd.s32 $0xFFFF8300  }
0x43: {  	[tilespmem:s23], [sflag:$0x2] =	stream.indirect.gather [hbm4b:s17+s0], $0x10, s10, s0, $0xb8;
	[tilespmem:$0x19720] =	vst v63  }
0x44: {  	_ = 	snop  }
0x45: {  	[spmem:s2] =	stream.indirect.scatter.add.f32 [tilespmem:s22], [sflag:$0x5], $0x10, s11, s0, $0xb8;
	[tilespmem:$0x19720] =	vst v63  }
0x46: {  	_ =	swait.ge [sflag:s28], $0x7D00  }
0x47: {  	[sflag:s28] =	ssyncset.done $0x0  }
0x48: {  	[sflag:s28] =	ssyncadd.s32 $0xFFFF8300  }
0x49: {  	_ =	swait.ge [sflag:s31], $0x7D00  }
0x4a: {  	[sflag:s31] =	ssyncset.done $0x0  }
0x4b: {  	[sflag:s31] =	ssyncadd.s32 $0xFFFF8300  }
0x4c: {  	[tilespmem:s22], [sflag:$0x1] =	stream.indirect.gather [hbm4b:s17+s0], $0x10, s12, s0, $0xb8;
	[tilespmem:$0x19720] =	vst v63  }
0x4d: {  	_ = 	snop  }
0x4e: {  	[spmem:s2] =	stream.indirect.scatter.add.f32 [tilespmem:s23], [sflag:$0x5], $0x10, s13, s0, $0xb8;
	[tilespmem:$0x19720] =	vst v63  }
0x4f: {  	_ =	swait.ge [sflag:s28], $0x7D00  }
0x50: {  	[sflag:s28] =	ssyncset.done $0x0  }
0x51: {  	[sflag:s28] =	ssyncadd.s32 $0xFFFF8300  }
0x52: {  	_ =	swait.ge [sflag:s30], $0x7D00  }
0x53: {  	[sflag:s30] =	ssyncset.done $0x0  }
0x54: {  	[sflag:s30] =	ssyncadd.s32 $0xFFFF8300  }
0x55: {  	[spmem:s2] =	stream.indirect.scatter.add.f32 [tilespmem:s22], [sflag:$0x5], $0x10, s14, s0, $0xb8;
	[tilespmem:$0x19720] =	vst v63  }
0x56: {  	_ =	swait.ge [sflag:s28], $0x7D00  }
0x57: {  	[sflag:s28] =	ssyncset.done $0x0  }
0x58: {  	[sflag:s28] =	ssyncadd.s32 $0xFFFF8300  }
0x59: {  	s9 =	simm.s32 @p0 $0x1FC5;
	[bflag:$0x0] =	sbarrier.arrive $0xFFFF  }
0x5a: {  	[hbm:s19], [sflag:s9] =	dma.local @p0 [spmem:s25], $0x410  }
0x5b: {  	s9 =	simm.s32 @p0 $0x5  }
0x5c: {  	s16 =	stileid.u32;
	s15 =	sadd.s32 $0x1, s15;
	_ =	swait.ge @p0 [sflag:s9], $0x410  }
0x5d: {  	s16 =	sshll.u32 @!p0 s16, $0x6;
	p1 =	sne.s32 s15, s20;
	[sflag:s9] =	ssyncset.done @p0 $0x0  }
0x5e: {  	[sflag:s9] =	ssyncadd.s32 @p0 $0xFFFFFBF0;
	s9 =	sor.u32 @!p0 $0x1C05, s16;
	s16 =	sshrl.u32 @!p0 s7, $0x3  }
0x5f: {  	[hbm:s18], [sflag:s9] =	dma.local @!p0 [spmem:s16], $0x4F0  }
.Ltmp1:
0x60: {  	_ = 	snop;
	(pc) =	sbr.rel @!p1 .LBB2_9-.Ltmp1, $4  }
0x61: {  	s9 =	simm.s32 @!p0 $0x5  }
0x62: {  	_ =	swait.ge @!p0 [sflag:s9], $0x4F0  }
0x63: {  	[sflag:s9] =	ssyncset.done @!p0 $0x0  }
0x64: {  	[sflag:s9] =	ssyncadd.s32 @!p0 $0xFFFFFB10  }
.LBB2_1:
.Ltmp2:
0x65: {  	(pc) =	sbr.rel @!p0 .LBB2_2-.Ltmp2, $4  }
0x66: {  	[tilespmem:s3], [sflag:$0x3] =	stream.linear.gather [hbm4b:s5+s3], $0x2710, $0x38;
	[tilespmem:$0x19720] =	vst v63  }
0x67: {  	s16 =	sshrl.u32 s7, $0x3  }
0x68: {  	[tilespmem:s21], [sflag:$0x2] =	stream.linear.gather [hbm4b:s6+s3], $0x2710, $0x38;
	[tilespmem:$0x19720] =	vst v63  }
0x69: {  	[spmem:s16], [sflag:s8] =	dma.local [hbm:s4], $0x4F0  }
0x6a: {  	s9 =	simm.s32 $0x0;
	s16 =	rddreg [dreg:$0x7]  }
0x6b: {  	[tilespmem:s22], [sflag:$0x4] =	stream.linear.gather [hbm4b:s16+s9], $0x2080, $0x38;
	[tilespmem:$0x19720] =	vst v63  }
0x6c: {  	s24 =	rddreg [dreg:$0x8]  }
0x6d: {  	[tilespmem:s23], [sflag:$0x4] =	stream.linear.gather [hbm4b:s24+s9], $0x2080, $0x38;
	[tilespmem:$0x19720] =	vst v63  }
0x6e: {  	s16 =	rddreg [dreg:$0x9];
	s24 =	simm.s32 $0x14820  }
0x6f: {  	[tilespmem:s24], [sflag:$0x4] =	stream.linear.gather [hbm4b:s16+s9], $0x2080, $0x38;
	[tilespmem:$0x19720] =	vst v63  }
0x70: {  	_ =	swait.ge [sflag:s26], $0x2080  }
0x71: {  	[sflag:s26] =	ssyncset.done $0x0  }
0x72: {  	[sflag:s26] =	ssyncadd.s32 $0xFFFFDF80  }
0x73: {  	_ =	swait.ge [sflag:s26], $0x2080  }
0x74: {  	[sflag:s26] =	ssyncset.done $0x0  }
0x75: {  	[sflag:s26] =	ssyncadd.s32 $0xFFFFDF80  }
0x76: {  	_ =	swait.ge [sflag:s26], $0x2080  }
0x77: {  	[sflag:s26] =	ssyncset.done $0x0  }
0x78: {  	s16 =	simm.s32 $0x0;
	[sflag:s26] =	ssyncadd.s32 $0xFFFFDF80  }
0x79: {  	s24 =	simm.s32 $0x40;
	v0 =	vld [tilespmem:s16+$0xCB20]  }
.LBB2_6:
0x7a: {  	p1 =	sne.s32 s24, $0x81C0;
	v1 =	vld [tilespmem:s16+$0x4E20];
	_ =	sdelay $0x1  }
0x7b: {  	v2 =	vld [tilespmem:s16+$0x14820];
	_ =	sdelay $0x2  }
0x7c: {  	v0 =	vadd.f32 v0, v1  }
.Ltmp3:
0x7d: {  	(pc) =	sbr.rel @p1 .LBB2_6-.Ltmp3, $3  }
0x7e: {  	v0 =	vadd.f32 v2, v0;
	_ =	sdelay $0x1  }
0x7f: {  	s9 =	sshra.s32 s24, $0x2;
	v1 =	vmax.f32 v0, $0.0e+00  }
0x80: {  	s24 =	sadd.s32 $0x40, s24;
	v0 =	vld [tilespmem:s9+$0xCB20];
	[tilespmem:s16+$0x4E20] =	vst v1;
	s16 =	smov.u32 s9  }
.Ltmp4:
0x81: {  	_ = 	snop;
	(pc) =	sbr.rel .LBB2_7-.Ltmp4, $1  }
0x82: {  	_ =	sdelay $0x3  }
.LBB2_2:
0x83: {  	s16 =	simm.s32 $0x0;
	s9 =	rddreg [dreg:$0x3]  }
0x84: {  	[tilespmem:s22], [sflag:$0x4] =	stream.linear.gather [hbm4b:s9+s16], $0x2780, $0x38;
	[tilespmem:$0x19720] =	vst v63  }
0x85: {  	s24 =	rddreg [dreg:$0x4]  }
0x86: {  	[tilespmem:s23], [sflag:$0x4] =	stream.linear.gather [hbm4b:s24+s16], $0x2780, $0x38;
	[tilespmem:$0x19720] =	vst v63  }
0x87: {  	s9 =	rddreg [dreg:$0x5];
	s24 =	simm.s32 $0x14820  }
0x88: {  	[tilespmem:s24], [sflag:$0x4] =	stream.linear.gather [hbm4b:s9+s16], $0x2780, $0x38;
	[tilespmem:$0x19720] =	vst v63  }
0x89: {  	_ =	swait.ge [sflag:s26], $0x2780  }
0x8a: {  	[sflag:s26] =	ssyncset.done $0x0  }
0x8b: {  	[sflag:s26] =	ssyncadd.s32 $0xFFFFD880  }
0x8c: {  	_ =	swait.ge [sflag:s26], $0x2780  }
0x8d: {  	[sflag:s26] =	ssyncset.done $0x0  }
0x8e: {  	[sflag:s26] =	ssyncadd.s32 $0xFFFFD880  }
0x8f: {  	_ =	swait.ge [sflag:s26], $0x2780  }
0x90: {  	[sflag:s26] =	ssyncset.done $0x0  }
0x91: {  	s16 =	simm.s32 $0x0;
	[sflag:s26] =	ssyncadd.s32 $0xFFFFD880  }
0x92: {  	s24 =	simm.s32 $0x40;
	v0 =	vld [tilespmem:s16+$0xCB20]  }
.LBB2_3:
0x93: {  	p1 =	sne.s32 s24, $0x9DC0;
	v1 =	vld [tilespmem:s16+$0x4E20];
	_ =	sdelay $0x1  }
0x94: {  	v2 =	vld [tilespmem:s16+$0x14820];
	_ =	sdelay $0x2  }
0x95: {  	v0 =	vadd.f32 v0, v1  }
.Ltmp5:
0x96: {  	(pc) =	sbr.rel @p1 .LBB2_3-.Ltmp5, $3  }
0x97: {  	v0 =	vadd.f32 v2, v0;
	_ =	sdelay $0x1  }
0x98: {  	s9 =	sshra.s32 s24, $0x2;
	v1 =	vmax.f32 v0, $0.0e+00  }
0x99: {  	s24 =	sadd.s32 $0x40, s24;
	v0 =	vld [tilespmem:s9+$0xCB20];
	[tilespmem:s16+$0x4E20] =	vst v1;
	s16 =	smov.u32 s9  }
0x9a: {  	v1 =	vld [tilespmem:s16+$0x4E20];
	_ =	sdelay $0x1  }
0x9b: {  	v2 =	vld [tilespmem:s16+$0x14820];
	_ =	sdelay $0x2  }
0x9c: {  	v0 =	vadd.f32 v0, v1;
	_ =	sdelay $0x1  }
0x9d: {  	v0 =	vadd.f32 v2, v0;
	_ =	sdelay $0x1  }
0x9e: {  	v0 =	vmax.f32 v0, $0.0e+00  }
.Ltmp6:
0x9f: {  	s9 =	rddreg [dreg:$0x6];
	[tilespmem:s16+$0x4E20] =	vst v0;
	(pc) =	sbr.rel .LBB2_8-.Ltmp6, $4  }
0xa0: {  	[hbm4b:s9+s3] =	stream.linear.scatter [tilespmem:s22], [sflag:$0x5], $0x2780, $0x38;
	[tilespmem:$0x19720] =	vst v63  }
0xa1: {  	_ =	swait.ge [sflag:s28], $0x2780  }
0xa2: {  	[sflag:s28] =	ssyncset.done $0x0  }
0xa3: {  	[sflag:s28] =	ssyncadd.s32 $0xFFFFD880  }
.LBB2_9:
0xa4: {  	_ =	sfence.sel $0x180000  }
0xa5: {  	[bflag:$0x0] =	sbarrier.arrive $0xFFFF  }
0xa6: {  	_ =	strace $0x9000004A  }
0xa7: {  	s0 =	stileid.u32;
	[bflag:$0x2] =	sbarrier.arrive $0xFFFF  }
0xa8: {  	p0 =	sne.s32 s0, $0x0;
	s0 =	rddreg [dreg:$0x2]  }
0xa9: {  	s0 =	sadd.s32 @!p0 $0x100000, s0  }
0xaa: {  	[sflag:s0] =	ssyncadd.tile.s32 @!p0 $0x1;
	_ =	shalt  }
.Lfunc_end2:
_tile_overlayer_lowered:
.L_overlay_start_2:
0xab: {  	(tag) =	ssettag $0x2  }
0xac: {  	s0 =	rddreg [dreg:$0x0];
	s2 =	stileid.u32  }
0xad: {  	s1 =	rddreg [dreg:$0x1];
	p0 =	sne.s32 s2, $0x0  }
0xae: {  	s3 =	rddreg [dreg:$0x2];
	[bflag:$0x3] =	sbarrier.arrive $0xFFFF;
	s2 =	simm.s32 @!p0 $0x1C05  }
0xaf: {  	[timem:s3], [sflag:s2] =	dma.local @!p0 [hbm:s0], s1  }
0xb0: {  	s0 =	simm.s32 @!p0 $0x5  }
0xb1: {  	_ =	swait.ge @!p0 [sflag:s0], s1  }
0xb2: {  	s1 =	ssub.s32 @!p0 $0x0, s1;
	[sflag:s0] =	ssyncset.done @!p0 $0x0  }
0xb3: {  	[sflag:s0] =	ssyncadd.s32 @!p0 s1  }
0xb4: {  	[bflag:$0x3] =	sbarrier.arrive $0xFFFF  }
0xb5: {  	_ =	shalt  }

</sc_bundles>
